<compile_context>
chip_gen: v7x
topology: tpu7x:2x2x1
jax: 0.10.2.dev20260603
libtpu: 0.0.44.dev20260713+nightly
codegen_flags: <defaults>
</compile_context>

<pallas_src>
import functools

import jax
import jax.numpy as jnp
import numpy as np
from jax import lax
from jax.experimental import pallas as pl
from jax.experimental.pallas import tpu as pltpu
from jax.experimental.pallas import tpu_sc as plsc

N = 10000
E = 320000
DF = 128
H1 = 16
C = 40
C_PAD = 48

NC = 2
NS = 16
NW = NC * NS
L = 16

CHUNK = 128
G = 80
EPAD = NW * G * CHUNK
NPAD = 10112
RPT = NPAD // NS

_mesh = plsc.VectorSubcoreMesh(
    core_axis_name="c", subcore_axis_name="s", num_cores=NC, num_subcores=NS)
_sc_params = pltpu.CompilerParams(use_tc_tiling_on_sc=False)


def _zero_my_slice(bounce, acc, sid, d):
  zero = jnp.zeros((L,), jnp.float32)

  def zrow(i, carry):
    for j in range(d // L):
      bounce[i, pl.ds(j * L, L)] = zero
    return carry

  lax.fori_loop(0, RPT, zrow, 0)
  pltpu.sync_copy(bounce, acc.at[pl.ds(sid * RPT, RPT)])


def _copy_out_my_slice(bounce, acc, out_hbm, cid, sid):
  pltpu.sync_copy(acc.at[pl.ds(sid * RPT, RPT)], bounce)
  pltpu.sync_copy(bounce, out_hbm.at[cid].at[pl.ds(sid * RPT, RPT)])


@functools.partial(
    pl.kernel,
    out_type=jax.ShapeDtypeStruct((NC, NPAD, L), jnp.float32),
    mesh=_mesh,
    scratch_types=[
        pltpu.VMEM((G, CHUNK), jnp.int32),
        pltpu.VMEM((CHUNK, L), jnp.float32),
        pltpu.VMEM((RPT, L), jnp.float32),
        pltpu.VMEM_SHARED((NPAD, L), jnp.float32),
        pltpu.SemaphoreType.DMA,
        pltpu.SemaphoreType.DMA,
        pltpu.SemaphoreType.DMA,
        pltpu.SemaphoreType.DMA,
    ],
    compiler_params=_sc_params,
)
def _deg_sc(ed_hbm, out_hbm, didx, ones_v, bounce, acc, s0, s1, s2, s3):
  cid = lax.axis_index("c")
  sid = lax.axis_index("s")
  wid = cid * NS + sid
  pltpu.sync_copy(ed_hbm.at[1].at[wid], didx)

  one = jnp.full((L,), 1.0, jnp.float32)

  def orow(i, carry):
    ones_v[i, :] = one
    return carry

  lax.fori_loop(0, CHUNK, orow, 0)
  _zero_my_slice(bounce, acc, sid, L)
  plsc.subcore_barrier()

  sems = (s0, s1, s2, s3)
  for b in range(4):
    pltpu.async_copy(ones_v, acc.at[didx.at[b]], sems[b], add=True)

  def body(j, carry):
    for b in range(4):
      c = 4 * j + 4 + b
      pltpu.make_async_copy(ones_v, acc.at[didx.at[b]], sems[b]).wait()
      pltpu.async_copy(ones_v, acc.at[didx.at[c]], sems[b], add=True)
    return carry

  lax.fori_loop(0, G // 4 - 1, body, 0)
  for b in range(4):
    pltpu.make_async_copy(ones_v, acc.at[didx.at[b]], sems[b]).wait()
  plsc.subcore_barrier()
  _copy_out_my_slice(bounce, acc, out_hbm, cid, sid)


def _make_agg(d):

  @functools.partial(
      pl.kernel,
      out_type=jax.ShapeDtypeStruct((NC, NPAD, d), jnp.float32),
      mesh=_mesh,
      scratch_types=[
          pltpu.VMEM((G, CHUNK), jnp.int32),
          pltpu.VMEM((G, CHUNK), jnp.int32),
          pltpu.VMEM((CHUNK, d), jnp.float32),
          pltpu.VMEM((CHUNK, d), jnp.float32),
          pltpu.VMEM((RPT, d), jnp.float32),
          pltpu.VMEM_SHARED((NPAD, d), jnp.float32),
          pltpu.VMEM_SHARED((NPAD, d), jnp.float32),
          pltpu.SemaphoreType.DMA,
          pltpu.SemaphoreType.DMA,
          pltpu.SemaphoreType.DMA,
          pltpu.SemaphoreType.DMA,
      ],
      compiler_params=_sc_params,
  )
  def agg(hs_hbm, ed_hbm, out_hbm, sidx, didx, r0, r1, bounce, acc, hsp,
          gs0, gs1, ss0, ss1):
    cid = lax.axis_index("c")
    sid = lax.axis_index("s")
    wid = cid * NS + sid
    pltpu.sync_copy(ed_hbm.at[0].at[wid], sidx)
    pltpu.sync_copy(ed_hbm.at[1].at[wid], didx)
    pltpu.sync_copy(hs_hbm.at[pl.ds(sid * RPT, RPT)], bounce)
    pltpu.sync_copy(bounce, hsp.at[pl.ds(sid * RPT, RPT)])
    _zero_my_slice(bounce, acc, sid, d)
    plsc.subcore_barrier()

    pltpu.async_copy(hsp.at[sidx.at[0]], r0, gs0)
    pltpu.async_copy(hsp.at[sidx.at[1]], r1, gs1)

    def body(kk, carry):
      g0 = 2 * kk
      g1 = g0 + 1
      pltpu.make_async_copy(hsp.at[sidx.at[g0]], r0, gs0).wait()
      pltpu.async_copy(r0, acc.at[didx.at[g0]], ss0, add=True)
      pltpu.make_async_copy(hsp.at[sidx.at[g1]], r1, gs1).wait()
      pltpu.async_copy(r1, acc.at[didx.at[g1]], ss1, add=True)

      @pl.when(g0 + 2 < G)
      def _():
        pltpu.make_async_copy(r0, acc.at[didx.at[g0]], ss0).wait()
        pltpu.async_copy(hsp.at[sidx.at[g0 + 2]], r0, gs0)

      @pl.when(g1 + 2 < G)
      def _():
        pltpu.make_async_copy(r1, acc.at[didx.at[g1]], ss1).wait()
        pltpu.async_copy(hsp.at[sidx.at[g1 + 2]], r1, gs1)

      return carry

    lax.fori_loop(0, G // 2, body, 0)
    pltpu.make_async_copy(r0, acc.at[didx.at[0]], ss0).wait()
    pltpu.make_async_copy(r1, acc.at[didx.at[1]], ss1).wait()
    plsc.subcore_barrier()
    _copy_out_my_slice(bounce, acc, out_hbm, cid, sid)

  return agg


_agg16 = _make_agg(H1)



PR = NPAD * H1 // 128
BLKP = PR // 2

_FILL = np.asarray(N + np.arange(EPAD - E) % (NPAD - N), dtype=np.int32)
_FILL.setflags(write=False)


def _dinv_of(dp_ref):
  return lax.rsqrt(dp_ref[0] + dp_ref[1] + 1.0)


def _tc1a_body(x_ref, w1b_ref, xw1_ref):
  xw1_ref[...] = jnp.dot(x_ref[...], w1b_ref[...],
                         preferred_element_type=jnp.float32)


def _tc1a(xr, w1b):
  return pl.pallas_call(
      _tc1a_body,
      grid=(2,),
      in_specs=[
          pl.BlockSpec((BLKP, 8 * DF), lambda i: (i, 0)),
          pl.BlockSpec((8 * DF, 128), lambda i: (0, 0)),
      ],
      out_specs=pl.BlockSpec((BLKP, 128), lambda i: (i, 0)),
      out_shape=jax.ShapeDtypeStruct((PR, 128), jnp.float32),
  )(xr, w1b)


def _tc1b_body(xw1_ref, dp_ref, hs1_ref):
  hs1_ref[...] = _dinv_of(dp_ref) * xw1_ref[...]


def _tc1b(xw1P, dpP):
  return pl.pallas_call(
      _tc1b_body,
      grid=(2,),
      in_specs=[
          pl.BlockSpec((BLKP, 128), lambda i: (i, 0)),
          pl.BlockSpec((NC, BLKP, 128), lambda i: (0, i, 0)),
      ],
      out_specs=pl.BlockSpec((BLKP, 128), lambda i: (i, 0)),
      out_shape=jax.ShapeDtypeStruct((PR, 128), jnp.float32),
  )(xw1P, dpP)


def _tc2_body(a_ref, hs1_ref, dp_ref, b1t_ref, gs2_ref):
  dinv = _dinv_of(dp_ref)
  s = a_ref[0] + a_ref[1] + hs1_ref[...]
  out1 = jnp.maximum(dinv * s + b1t_ref[...], 0.0)
  gs2_ref[...] = dinv * out1


def _tc2(a1P, hs1P, dpP, b1t):
  return pl.pallas_call(
      _tc2_body,
      grid=(2,),
      in_specs=[
          pl.BlockSpec((NC, BLKP, 128), lambda i: (0, i, 0)),
          pl.BlockSpec((BLKP, 128), lambda i: (i, 0)),
          pl.BlockSpec((NC, BLKP, 128), lambda i: (0, i, 0)),
          pl.BlockSpec((1, 128), lambda i: (0, 0)),
      ],
      out_specs=pl.BlockSpec((BLKP, 128), lambda i: (i, 0)),
      out_shape=jax.ShapeDtypeStruct((PR, 128), jnp.float32),
  )(a1P, hs1P, dpP, b1t)


def _tc3_body(a_ref, gs2_ref, dp_ref, w2b_ref, b2t_ref, out_ref):
  dinv = _dinv_of(dp_ref)
  s = dinv * (a_ref[0] + a_ref[1] + gs2_ref[...])
  h2 = jnp.dot(s, w2b_ref[...], preferred_element_type=jnp.float32)
  out_ref[...] = h2 + b2t_ref[...]


def _tc3(a2P, gs2P, dpP, w2b, b2t):
  return pl.pallas_call(
      _tc3_body,
      grid=(2,),
      in_specs=[
          pl.BlockSpec((NC, BLKP, 128), lambda i: (0, i, 0)),
          pl.BlockSpec((BLKP, 128), lambda i: (i, 0)),
          pl.BlockSpec((NC, BLKP, 128), lambda i: (0, i, 0)),
          pl.BlockSpec((128, 8 * C_PAD), lambda i: (0, 0)),
          pl.BlockSpec((1, 8 * C_PAD), lambda i: (0, 0)),
      ],
      out_specs=pl.BlockSpec((BLKP, 8 * C_PAD), lambda i: (i, 0)),
      out_shape=jax.ShapeDtypeStruct((PR, 8 * C_PAD), jnp.float32),
  )(a2P, gs2P, dpP, w2b, b2t)


def kernel(x, edge_index, W1, b1, W2, b2):
  f32 = jnp.float32
  fill2 = jnp.broadcast_to(jnp.asarray(_FILL), (2, EPAD - E))
  ed = jnp.concatenate([edge_index, fill2], axis=1).reshape(2, NW, G, CHUNK)

  eye8 = jnp.eye(8, dtype=f32)
  xr = jnp.pad(x, ((0, NPAD - N), (0, 0))).reshape(PR, 8 * DF)
  w1b = jnp.kron(eye8, W1)
  w2b = jnp.kron(eye8, jnp.pad(W2, ((0, 0), (0, C_PAD - C))))
  b1t = jnp.tile(b1, 8).reshape(1, 128)
  b2t = jnp.tile(jnp.pad(b2, (0, C_PAD - C)), 8).reshape(1, 8 * C_PAD)

  xw1P = _tc1a(xr, w1b)
  dp = _deg_sc(ed)
  dpP = dp.reshape(NC, PR, 128)
  hs1P = _tc1b(xw1P, dpP)
  a1 = _agg16(hs1P.reshape(NPAD, H1), ed)
  a1P = a1.reshape(NC, PR, 128)
  gs2P = _tc2(a1P, hs1P, dpP, b1t)
  a2 = _agg16(gs2P.reshape(NPAD, H1), ed)
  a2P = a2.reshape(NC, PR, 128)
  oP = _tc3(a2P, gs2P, dpP, w2b, b2t)
  return oP.reshape(NPAD, C_PAD)[:N, :C]

# --- scband reference (transcript-rebuilt; emitter-appended) ---
"""Pipeline reference for scband-method-gcn-841813590223 (READ-ONLY COPY).

The authoritative reference and input builder live on the scoring server;
editing this copy changes nothing except your own understanding.
"""

import jax, jax.numpy as jnp
import numpy as np

N_NODES = 10000
N_EDGES = 320000
D_FEAT = 128
HIDDEN = 16
N_CLASSES = 40


def setup_inputs(seed: int = 0) -> dict:
    key = jax.random.key(seed)
    k1, k2, k3, k4, k5, k6 = jax.random.split(key, 6)
    x = jax.random.normal(k1, (N_NODES, D_FEAT), dtype=jnp.float32)
    edge_index = jax.random.randint(k2, (2, N_EDGES), 0, N_NODES, dtype=jnp.int32)
    W1 = jax.random.normal(k3, (D_FEAT, HIDDEN), dtype=jnp.float32) * (1.0 / np.sqrt(D_FEAT))
    b1 = jnp.zeros((HIDDEN,), dtype=jnp.float32)
    W2 = jax.random.normal(k4, (HIDDEN, N_CLASSES), dtype=jnp.float32) * (1.0 / np.sqrt(HIDDEN))
    b2 = jnp.zeros((N_CLASSES,), dtype=jnp.float32)
    return {"x": x, "edge_index": edge_index, "W1": W1, "b1": b1, "W2": W2, "b2": b2}


def _gcn_conv(x, W, b, src2, dst2, norm, n):
    # GCNConv: x' = D^{-1/2} (A + I) D^{-1/2} X W + b
    h = x @ W
    msgs = norm[:, None] * jnp.take(h, src2, axis=0)
    out = jnp.zeros((n, h.shape[1]), dtype=h.dtype).at[dst2].add(msgs)
    return out + b


def reference(x, edge_index, W1, b1, W2, b2):
    n = x.shape[0]
    src = edge_index[0]
    dst = edge_index[1]
    # add self loops
    loop = jnp.arange(n, dtype=src.dtype)
    src2 = jnp.concatenate([src, loop])
    dst2 = jnp.concatenate([dst, loop])
    # symmetric normalization
    deg = jnp.zeros((n,), dtype=x.dtype).at[dst2].add(1.0)
    dinv = jnp.where(deg > 0, jax.lax.rsqrt(jnp.maximum(deg, 1e-12)), 0.0)
    norm = dinv[src2] * dinv[dst2]
    # dropout1 is identity in eval mode
    h = _gcn_conv(x, W1, b1, src2, dst2, norm, n)
    h = jax.nn.relu(h)
    # dropout2 is identity in eval mode
    out = _gcn_conv(h, W2, b2, src2, dst2, norm, n)
    return out

if __name__ == "__main__":
    import jax
    _d = setup_inputs()
    print(jax.jit(kernel)(*tuple(_d.values())))

</pallas_src>

<mosaic_0001>
#map = affine_map<(d0, d1) -> (0, 0, 0, 0)>
#map1 = affine_map<(d0, d1) -> (0, 0, 0)>
module attributes {stable_mosaic.version = 14 : i64} {
  func.func @_deg_sc(%arg0: i32, %arg1: i32, %arg2: memref<2x32x80x128xi32, #tpu.memory_space<hbm>>, %arg3: memref<2x10112x16xf32, #tpu.memory_space<hbm>>, %arg4: memref<80x128xi32, #tpu.memory_space<vmem>>, %arg5: memref<128x16xf32, #tpu.memory_space<vmem>>, %arg6: memref<632x16xf32, #tpu.memory_space<vmem>>, %arg7: memref<10112x16xf32, #tpu.memory_space<vmem_shared>>, %arg8: memref<!tpu.dma_semaphore, #tpu.memory_space<semaphore_mem>>, %arg9: memref<!tpu.dma_semaphore, #tpu.memory_space<semaphore_mem>>, %arg10: memref<!tpu.dma_semaphore, #tpu.memory_space<semaphore_mem>>, %arg11: memref<!tpu.dma_semaphore, #tpu.memory_space<semaphore_mem>>) attributes {dimension_semantics = [#tpu.dimension_semantics<core_parallel>, #tpu.dimension_semantics<subcore_parallel>], iteration_bounds = array<i64: 2, 16>, scalar_prefetch = 0 : i64, scratch_operands = 8 : i64, tpu.core_type = #tpu.core_type<sc_vector_subcore>, window_params = [{transform_indices = #map}, {transform_indices = #map1}]} {
    %mul3A = arith.constant 16 : i32
    %mul3A_0 = arith.muli %arg0, %mul3A : i32
    %add3A = arith.addi %mul3A_0, %arg1 : i32
    %run_scoped3A = arith.constant 1 : i32
    "tpu.region"() ({
      %run_scoped3A_82 = tpu.sem_alloc : memref<!tpu.dma_semaphore, #tpu.memory_space<semaphore_mem>>
      %dma_start3A_83 = arith.constant 0 : i32
      %dma_start3A_84 = arith.constant 0 : i32
      %dma_start3A_85 = arith.constant 0 : i32
      %dma_start3A_86 = tpu.memref_slice %arg2[%run_scoped3A, %dma_start3A_83, %dma_start3A_84, %dma_start3A_85] : memref<2x32x80x128xi32, #tpu.memory_space<hbm>> -> memref<1x32x80x128xi32, #tpu.memory_space<hbm>>
      %dma_start3A_87 = tpu.memref_squeeze %dma_start3A_86 : memref<1x32x80x128xi32, #tpu.memory_space<hbm>> -> memref<32x80x128xi32, #tpu.memory_space<hbm>>
      %dma_start3A_88 = arith.constant 0 : i32
      %dma_start3A_89 = arith.constant 0 : i32
      %dma_start3A_90 = tpu.memref_slice %dma_start3A_87[%add3A, %dma_start3A_88, %dma_start3A_89] : memref<32x80x128xi32, #tpu.memory_space<hbm>> -> memref<1x80x128xi32, #tpu.memory_space<hbm>>
      %dma_start3A_91 = tpu.memref_squeeze %dma_start3A_90 : memref<1x80x128xi32, #tpu.memory_space<hbm>> -> memref<80x128xi32, #tpu.memory_space<hbm>>
      %dma_start3A_92 = arith.constant 0 : i32
      %dma_start3A_93 = arith.constant 0 : i32
      %dma_start3A_94 = arith.constant 0 : i32
      %dma_start3A_95 = tpu.memref_slice %arg2[%run_scoped3A, %dma_start3A_92, %dma_start3A_93, %dma_start3A_94] : memref<2x32x80x128xi32, #tpu.memory_space<hbm>> -> memref<1x32x80x128xi32, #tpu.memory_space<hbm>>
      %dma_start3A_96 = tpu.memref_squeeze %dma_start3A_95 : memref<1x32x80x128xi32, #tpu.memory_space<hbm>> -> memref<32x80x128xi32, #tpu.memory_space<hbm>>
      %dma_start3A_97 = arith.constant 0 : i32
      %dma_start3A_98 = arith.constant 0 : i32
      %dma_start3A_99 = tpu.memref_slice %dma_start3A_96[%add3A, %dma_start3A_97, %dma_start3A_98] : memref<32x80x128xi32, #tpu.memory_space<hbm>> -> memref<1x80x128xi32, #tpu.memory_space<hbm>>
      %dma_start3A_100 = tpu.memref_squeeze %dma_start3A_99 : memref<1x80x128xi32, #tpu.memory_space<hbm>> -> memref<80x128xi32, #tpu.memory_space<hbm>>
      tpu.enqueue_dma source(%dma_start3A_100 : memref<80x128xi32, #tpu.memory_space<hbm>>) target(%arg4 : memref<80x128xi32, #tpu.memory_space<vmem>>) target_semaphore(%run_scoped3A_82 : memref<!tpu.dma_semaphore, #tpu.memory_space<semaphore_mem>>)
      %dma_wait3A_101 = arith.constant 0 : i32
      %dma_wait3A_102 = arith.constant 0 : i32
      %dma_wait3A_103 = arith.constant 0 : i32
      %dma_wait3A_104 = tpu.memref_slice %arg2[%run_scoped3A, %dma_wait3A_101, %dma_wait3A_102, %dma_wait3A_103] : memref<2x32x80x128xi32, #tpu.memory_space<hbm>> -> memref<1x32x80x128xi32, #tpu.memory_space<hbm>>
      %dma_wait3A_105 = tpu.memref_squeeze %dma_wait3A_104 : memref<1x32x80x128xi32, #tpu.memory_space<hbm>> -> memref<32x80x128xi32, #tpu.memory_space<hbm>>
      %dma_wait3A_106 = arith.constant 0 : i32
      %dma_wait3A_107 = arith.constant 0 : i32
      %dma_wait3A_108 = tpu.memref_slice %dma_wait3A_105[%add3A, %dma_wait3A_106, %dma_wait3A_107] : memref<32x80x128xi32, #tpu.memory_space<hbm>> -> memref<1x80x128xi32, #tpu.memory_space<hbm>>
      %dma_wait3A_109 = tpu.memref_squeeze %dma_wait3A_108 : memref<1x80x128xi32, #tpu.memory_space<hbm>> -> memref<80x128xi32, #tpu.memory_space<hbm>>
      %dma_wait3A_110 = arith.constant 0 : i32
      %dma_wait3A_111 = arith.constant 0 : i32
      %dma_wait3A_112 = arith.constant 0 : i32
      %dma_wait3A_113 = tpu.memref_slice %arg2[%run_scoped3A, %dma_wait3A_110, %dma_wait3A_111, %dma_wait3A_112] : memref<2x32x80x128xi32, #tpu.memory_space<hbm>> -> memref<1x32x80x128xi32, #tpu.memory_space<hbm>>
      %dma_wait3A_114 = tpu.memref_squeeze %dma_wait3A_113 : memref<1x32x80x128xi32, #tpu.memory_space<hbm>> -> memref<32x80x128xi32, #tpu.memory_space<hbm>>
      %dma_wait3A_115 = arith.constant 0 : i32
      %dma_wait3A_116 = arith.constant 0 : i32
      %dma_wait3A_117 = tpu.memref_slice %dma_wait3A_114[%add3A, %dma_wait3A_115, %dma_wait3A_116] : memref<32x80x128xi32, #tpu.memory_space<hbm>> -> memref<1x80x128xi32, #tpu.memory_space<hbm>>
      %dma_wait3A_118 = tpu.memref_squeeze %dma_wait3A_117 : memref<1x80x128xi32, #tpu.memory_space<hbm>> -> memref<80x128xi32, #tpu.memory_space<hbm>>
      tpu.wait_dma2 semaphore(%run_scoped3A_82 : memref<!tpu.dma_semaphore, #tpu.memory_space<semaphore_mem>>) src(%dma_wait3A_118 : memref<80x128xi32, #tpu.memory_space<hbm>>) dst(%arg4 : memref<80x128xi32, #tpu.memory_space<vmem>>)
      tpu.yield
    }) : () -> ()
    %broadcast_in_dim3A = arith.constant 1.000000e+00 : f32
    %broadcast_in_dim3A_1 = vector.broadcast %broadcast_in_dim3A : f32 to vector<16xf32>
    %scan3A = arith.constant 0 : i32
    %scan3A_2 = arith.constant 0 : i32
    %scan3A_3 = arith.constant 128 : i32
    %scan3A_4 = arith.addi %scan3A_2, %scan3A_3 : i32
    %scan3A_5 = arith.constant 1 : i32
    scf.for %scan3A_82 = %scan3A_2 to %scan3A_4 step %scan3A_5  : i32 {
      %swap3A = arith.index_cast %scan3A_82 : i32 to index
      %swap3A_83 = arith.constant 0 : index
      %swap3A_84 = tpu.vector_load %arg5[%swap3A, %swap3A_83] {strides = array<i32>} : memref<128x16xf32, #tpu.memory_space<vmem>>, vector<1x16xf32>,
      %swap3A_85 = vector.shape_cast %swap3A_84 : vector<1x16xf32> to vector<16xf32>
      %swap3A_86 = vector.shape_cast %broadcast_in_dim3A_1 : vector<16xf32> to vector<1x16xf32>
      tpu.vector_store %arg5[%swap3A, %swap3A_83], %swap3A_86 {strides = array<i32>} : memref<128x16xf32, #tpu.memory_space<vmem>>, vector<1x16xf32>,
    }
    %scan3A_6 = arith.constant 128 : i32
    %broadcast_in_dim3A_7 = arith.constant 0.000000e+00 : f32
    %broadcast_in_dim3A_8 = vector.broadcast %broadcast_in_dim3A_7 : f32 to vector<16xf32>
    %scan3A_9 = arith.constant 0 : i32
    %scan3A_10 = arith.constant 0 : i32
    %scan3A_11 = arith.constant 632 : i32
    %scan3A_12 = arith.addi %scan3A_10, %scan3A_11 : i32
    %scan3A_13 = arith.constant 1 : i32
    scf.for %scan3A_82 = %scan3A_10 to %scan3A_12 step %scan3A_13  : i32 {
      %swap3A = arith.index_cast %scan3A_82 : i32 to index
      %swap3A_83 = arith.constant 0 : index
      %swap3A_84 = tpu.vector_load %arg6[%swap3A, %swap3A_83] {strides = array<i32>} : memref<632x16xf32, #tpu.memory_space<vmem>>, vector<1x16xf32>,
      %swap3A_85 = vector.shape_cast %swap3A_84 : vector<1x16xf32> to vector<16xf32>
      %swap3A_86 = vector.shape_cast %broadcast_in_dim3A_8 : vector<16xf32> to vector<1x16xf32>
      tpu.vector_store %arg6[%swap3A, %swap3A_83], %swap3A_86 {strides = array<i32>} : memref<632x16xf32, #tpu.memory_space<vmem>>, vector<1x16xf32>,
    }
    %scan3A_14 = arith.constant 632 : i32
    %mul3A_15 = arith.constant 632 : i32
    %mul3A_16 = arith.muli %arg1, %mul3A_15 : i32
    "tpu.region"() ({
      %run_scoped3A_82 = tpu.sem_alloc : memref<!tpu.dma_semaphore, #tpu.memory_space<semaphore_mem>>
      %dma_start3A_83 = arith.constant 0 : i32
      %dma_start3A_84 = tpu.memref_slice %arg7[%mul3A_16, %dma_start3A_83] : memref<10112x16xf32, #tpu.memory_space<vmem_shared>> -> memref<632x16xf32, #tpu.memory_space<vmem_shared>>
      %dma_start3A_85 = arith.constant 0 : i32
      %dma_start3A_86 = tpu.memref_slice %arg7[%mul3A_16, %dma_start3A_85] : memref<10112x16xf32, #tpu.memory_space<vmem_shared>> -> memref<632x16xf32, #tpu.memory_space<vmem_shared>>
      tpu.enqueue_dma source(%arg6 : memref<632x16xf32, #tpu.memory_space<vmem>>) target(%dma_start3A_86 : memref<632x16xf32, #tpu.memory_space<vmem_shared>>) target_semaphore(%run_scoped3A_82 : memref<!tpu.dma_semaphore, #tpu.memory_space<semaphore_mem>>)
      %dma_wait3A_87 = arith.constant 0 : i32
      %dma_wait3A_88 = tpu.memref_slice %arg7[%mul3A_16, %dma_wait3A_87] : memref<10112x16xf32, #tpu.memory_space<vmem_shared>> -> memref<632x16xf32, #tpu.memory_space<vmem_shared>>
      %dma_wait3A_89 = arith.constant 0 : i32
      %dma_wait3A_90 = tpu.memref_slice %arg7[%mul3A_16, %dma_wait3A_89] : memref<10112x16xf32, #tpu.memory_space<vmem_shared>> -> memref<632x16xf32, #tpu.memory_space<vmem_shared>>
      tpu.wait_dma2 semaphore(%run_scoped3A_82 : memref<!tpu.dma_semaphore, #tpu.memory_space<semaphore_mem>>) src(%arg6 : memref<632x16xf32, #tpu.memory_space<vmem>>) dst(%dma_wait3A_90 : memref<632x16xf32, #tpu.memory_space<vmem_shared>>)
      tpu.yield
    }) : () -> ()
    %barrier3A = arith.constant 0 : index
    tpu.barrier barrier_id(%barrier3A)
    %dma_start3A = arith.constant 0 : i32
    %dma_start3A_17 = arith.constant 0 : i32
    %dma_start3A_18 = tpu.memref_slice %arg4[%dma_start3A, %dma_start3A_17] : memref<80x128xi32, #tpu.memory_space<vmem>> -> memref<1x128xi32, #tpu.memory_space<vmem>>
    %dma_start3A_19 = tpu.memref_squeeze %dma_start3A_18 : memref<1x128xi32, #tpu.memory_space<vmem>> -> memref<128xi32, #tpu.memory_space<vmem>>
    %dma_start3A_20 = arith.constant 0 : i32
    %dma_start3A_21 = arith.constant 0 : i32
    %dma_start3A_22 = tpu.memref_slice %arg7[%dma_start3A_20, %dma_start3A_21] : memref<10112x16xf32, #tpu.memory_space<vmem_shared>> -> memref<10112x16xf32, #tpu.memory_space<vmem_shared>>
    tpu.enqueue_indirect_dma source(%arg5 : memref<128x16xf32, #tpu.memory_space<vmem>>) target(%dma_start3A_22 : memref<10112x16xf32, #tpu.memory_space<vmem_shared>>) offsets(%dma_start3A_19 : memref<128xi32, #tpu.memory_space<vmem>>) semaphore(%arg8 : memref<!tpu.dma_semaphore, #tpu.memory_space<semaphore_mem>>) {add = true}
    %dma_start3A_23 = arith.constant 1 : i32
    %dma_start3A_24 = arith.constant 0 : i32
    %dma_start3A_25 = tpu.memref_slice %arg4[%dma_start3A_23, %dma_start3A_24] : memref<80x128xi32, #tpu.memory_space<vmem>> -> memref<1x128xi32, #tpu.memory_space<vmem>>
    %dma_start3A_26 = tpu.memref_squeeze %dma_start3A_25 : memref<1x128xi32, #tpu.memory_space<vmem>> -> memref<128xi32, #tpu.memory_space<vmem>>
    %dma_start3A_27 = arith.constant 0 : i32
    %dma_start3A_28 = arith.constant 0 : i32
    %dma_start3A_29 = tpu.memref_slice %arg7[%dma_start3A_27, %dma_start3A_28] : memref<10112x16xf32, #tpu.memory_space<vmem_shared>> -> memref<10112x16xf32, #tpu.memory_space<vmem_shared>>
    tpu.enqueue_indirect_dma source(%arg5 : memref<128x16xf32, #tpu.memory_space<vmem>>) target(%dma_start3A_29 : memref<10112x16xf32, #tpu.memory_space<vmem_shared>>) offsets(%dma_start3A_26 : memref<128xi32, #tpu.memory_space<vmem>>) semaphore(%arg9 : memref<!tpu.dma_semaphore, #tpu.memory_space<semaphore_mem>>) {add = true}
    %dma_start3A_30 = arith.constant 2 : i32
    %dma_start3A_31 = arith.constant 0 : i32
    %dma_start3A_32 = tpu.memref_slice %arg4[%dma_start3A_30, %dma_start3A_31] : memref<80x128xi32, #tpu.memory_space<vmem>> -> memref<1x128xi32, #tpu.memory_space<vmem>>
    %dma_start3A_33 = tpu.memref_squeeze %dma_start3A_32 : memref<1x128xi32, #tpu.memory_space<vmem>> -> memref<128xi32, #tpu.memory_space<vmem>>
    %dma_start3A_34 = arith.constant 0 : i32
    %dma_start3A_35 = arith.constant 0 : i32
    %dma_start3A_36 = tpu.memref_slice %arg7[%dma_start3A_34, %dma_start3A_35] : memref<10112x16xf32, #tpu.memory_space<vmem_shared>> -> memref<10112x16xf32, #tpu.memory_space<vmem_shared>>
    tpu.enqueue_indirect_dma source(%arg5 : memref<128x16xf32, #tpu.memory_space<vmem>>) target(%dma_start3A_36 : memref<10112x16xf32, #tpu.memory_space<vmem_shared>>) offsets(%dma_start3A_33 : memref<128xi32, #tpu.memory_space<vmem>>) semaphore(%arg10 : memref<!tpu.dma_semaphore, #tpu.memory_space<semaphore_mem>>) {add = true}
    %dma_start3A_37 = arith.constant 3 : i32
    %dma_start3A_38 = arith.constant 0 : i32
    %dma_start3A_39 = tpu.memref_slice %arg4[%dma_start3A_37, %dma_start3A_38] : memref<80x128xi32, #tpu.memory_space<vmem>> -> memref<1x128xi32, #tpu.memory_space<vmem>>
    %dma_start3A_40 = tpu.memref_squeeze %dma_start3A_39 : memref<1x128xi32, #tpu.memory_space<vmem>> -> memref<128xi32, #tpu.memory_space<vmem>>
    %dma_start3A_41 = arith.constant 0 : i32
    %dma_start3A_42 = arith.constant 0 : i32
    %dma_start3A_43 = tpu.memref_slice %arg7[%dma_start3A_41, %dma_start3A_42] : memref<10112x16xf32, #tpu.memory_space<vmem_shared>> -> memref<10112x16xf32, #tpu.memory_space<vmem_shared>>
    tpu.enqueue_indirect_dma source(%arg5 : memref<128x16xf32, #tpu.memory_space<vmem>>) target(%dma_start3A_43 : memref<10112x16xf32, #tpu.memory_space<vmem_shared>>) offsets(%dma_start3A_40 : memref<128xi32, #tpu.memory_space<vmem>>) semaphore(%arg11 : memref<!tpu.dma_semaphore, #tpu.memory_space<semaphore_mem>>) {add = true}
    %scan3A_44 = arith.constant 0 : i32
    %scan3A_45 = arith.constant 0 : i32
    %scan3A_46 = arith.constant 19 : i32
    %scan3A_47 = arith.addi %scan3A_45, %scan3A_46 : i32
    %scan3A_48 = arith.constant 1 : i32
    scf.for %scan3A_82 = %scan3A_45 to %scan3A_47 step %scan3A_48  : i32 {
      %mul3A_83 = arith.constant 4 : i32
      %mul3A_84 = arith.muli %mul3A_83, %scan3A_82 : i32
      %add3A_85 = arith.constant 4 : i32
      %add3A_86 = arith.addi %mul3A_84, %add3A_85 : i32
      %add3A_87 = arith.constant 0 : i32
      %add3A_88 = arith.addi %add3A_86, %add3A_87 : i32
      %dma_wait3A_89 = arith.constant 0 : i32
      %dma_wait3A_90 = arith.constant 0 : i32
      %dma_wait3A_91 = tpu.memref_slice %arg4[%dma_wait3A_89, %dma_wait3A_90] : memref<80x128xi32, #tpu.memory_space<vmem>> -> memref<1x128xi32, #tpu.memory_space<vmem>>
      %dma_wait3A_92 = tpu.memref_squeeze %dma_wait3A_91 : memref<1x128xi32, #tpu.memory_space<vmem>> -> memref<128xi32, #tpu.memory_space<vmem>>
      %dma_wait3A_93 = arith.constant 0 : i32
      %dma_wait3A_94 = arith.constant 0 : i32
      %dma_wait3A_95 = tpu.memref_slice %arg7[%dma_wait3A_93, %dma_wait3A_94] : memref<10112x16xf32, #tpu.memory_space<vmem_shared>> -> memref<10112x16xf32, #tpu.memory_space<vmem_shared>>
      tpu.wait_indirect_dma semaphore(%arg8 : memref<!tpu.dma_semaphore, #tpu.memory_space<semaphore_mem>>) src(%arg5 : memref<128x16xf32, #tpu.memory_space<vmem>>) dst(%dma_wait3A_95 : memref<10112x16xf32, #tpu.memory_space<vmem_shared>>)
      %dma_start3A_96 = arith.constant 0 : i32
      %dma_start3A_97 = tpu.memref_slice %arg4[%add3A_88, %dma_start3A_96] : memref<80x128xi32, #tpu.memory_space<vmem>> -> memref<1x128xi32, #tpu.memory_space<vmem>>
      %dma_start3A_98 = tpu.memref_squeeze %dma_start3A_97 : memref<1x128xi32, #tpu.memory_space<vmem>> -> memref<128xi32, #tpu.memory_space<vmem>>
      %dma_start3A_99 = arith.constant 0 : i32
      %dma_start3A_100 = arith.constant 0 : i32
      %dma_start3A_101 = tpu.memref_slice %arg7[%dma_start3A_99, %dma_start3A_100] : memref<10112x16xf32, #tpu.memory_space<vmem_shared>> -> memref<10112x16xf32, #tpu.memory_space<vmem_shared>>
      tpu.enqueue_indirect_dma source(%arg5 : memref<128x16xf32, #tpu.memory_space<vmem>>) target(%dma_start3A_101 : memref<10112x16xf32, #tpu.memory_space<vmem_shared>>) offsets(%dma_start3A_98 : memref<128xi32, #tpu.memory_space<vmem>>) semaphore(%arg8 : memref<!tpu.dma_semaphore, #tpu.memory_space<semaphore_mem>>) {add = true}
      %mul3A_102 = arith.constant 4 : i32
      %mul3A_103 = arith.muli %mul3A_102, %scan3A_82 : i32
      %add3A_104 = arith.constant 4 : i32
      %add3A_105 = arith.addi %mul3A_103, %add3A_104 : i32
      %add3A_106 = arith.constant 1 : i32
      %add3A_107 = arith.addi %add3A_105, %add3A_106 : i32
      %dma_wait3A_108 = arith.constant 1 : i32
      %dma_wait3A_109 = arith.constant 0 : i32
      %dma_wait3A_110 = tpu.memref_slice %arg4[%dma_wait3A_108, %dma_wait3A_109] : memref<80x128xi32, #tpu.memory_space<vmem>> -> memref<1x128xi32, #tpu.memory_space<vmem>>
      %dma_wait3A_111 = tpu.memref_squeeze %dma_wait3A_110 : memref<1x128xi32, #tpu.memory_space<vmem>> -> memref<128xi32, #tpu.memory_space<vmem>>
      %dma_wait3A_112 = arith.constant 0 : i32
      %dma_wait3A_113 = arith.constant 0 : i32
      %dma_wait3A_114 = tpu.memref_slice %arg7[%dma_wait3A_112, %dma_wait3A_113] : memref<10112x16xf32, #tpu.memory_space<vmem_shared>> -> memref<10112x16xf32, #tpu.memory_space<vmem_shared>>
      tpu.wait_indirect_dma semaphore(%arg9 : memref<!tpu.dma_semaphore, #tpu.memory_space<semaphore_mem>>) src(%arg5 : memref<128x16xf32, #tpu.memory_space<vmem>>) dst(%dma_wait3A_114 : memref<10112x16xf32, #tpu.memory_space<vmem_shared>>)
      %dma_start3A_115 = arith.constant 0 : i32
      %dma_start3A_116 = tpu.memref_slice %arg4[%add3A_107, %dma_start3A_115] : memref<80x128xi32, #tpu.memory_space<vmem>> -> memref<1x128xi32, #tpu.memory_space<vmem>>
      %dma_start3A_117 = tpu.memref_squeeze %dma_start3A_116 : memref<1x128xi32, #tpu.memory_space<vmem>> -> memref<128xi32, #tpu.memory_space<vmem>>
      %dma_start3A_118 = arith.constant 0 : i32
      %dma_start3A_119 = arith.constant 0 : i32
      %dma_start3A_120 = tpu.memref_slice %arg7[%dma_start3A_118, %dma_start3A_119] : memref<10112x16xf32, #tpu.memory_space<vmem_shared>> -> memref<10112x16xf32, #tpu.memory_space<vmem_shared>>
      tpu.enqueue_indirect_dma source(%arg5 : memref<128x16xf32, #tpu.memory_space<vmem>>) target(%dma_start3A_120 : memref<10112x16xf32, #tpu.memory_space<vmem_shared>>) offsets(%dma_start3A_117 : memref<128xi32, #tpu.memory_space<vmem>>) semaphore(%arg9 : memref<!tpu.dma_semaphore, #tpu.memory_space<semaphore_mem>>) {add = true}
      %mul3A_121 = arith.constant 4 : i32
      %mul3A_122 = arith.muli %mul3A_121, %scan3A_82 : i32
      %add3A_123 = arith.constant 4 : i32
      %add3A_124 = arith.addi %mul3A_122, %add3A_123 : i32
      %add3A_125 = arith.constant 2 : i32
      %add3A_126 = arith.addi %add3A_124, %add3A_125 : i32
      %dma_wait3A_127 = arith.constant 2 : i32
      %dma_wait3A_128 = arith.constant 0 : i32
      %dma_wait3A_129 = tpu.memref_slice %arg4[%dma_wait3A_127, %dma_wait3A_128] : memref<80x128xi32, #tpu.memory_space<vmem>> -> memref<1x128xi32, #tpu.memory_space<vmem>>
      %dma_wait3A_130 = tpu.memref_squeeze %dma_wait3A_129 : memref<1x128xi32, #tpu.memory_space<vmem>> -> memref<128xi32, #tpu.memory_space<vmem>>
      %dma_wait3A_131 = arith.constant 0 : i32
      %dma_wait3A_132 = arith.constant 0 : i32
      %dma_wait3A_133 = tpu.memref_slice %arg7[%dma_wait3A_131, %dma_wait3A_132] : memref<10112x16xf32, #tpu.memory_space<vmem_shared>> -> memref<10112x16xf32, #tpu.memory_space<vmem_shared>>
      tpu.wait_indirect_dma semaphore(%arg10 : memref<!tpu.dma_semaphore, #tpu.memory_space<semaphore_mem>>) src(%arg5 : memref<128x16xf32, #tpu.memory_space<vmem>>) dst(%dma_wait3A_133 : memref<10112x16xf32, #tpu.memory_space<vmem_shared>>)
      %dma_start3A_134 = arith.constant 0 : i32
      %dma_start3A_135 = tpu.memref_slice %arg4[%add3A_126, %dma_start3A_134] : memref<80x128xi32, #tpu.memory_space<vmem>> -> memref<1x128xi32, #tpu.memory_space<vmem>>
      %dma_start3A_136 = tpu.memref_squeeze %dma_start3A_135 : memref<1x128xi32, #tpu.memory_space<vmem>> -> memref<128xi32, #tpu.memory_space<vmem>>
      %dma_start3A_137 = arith.constant 0 : i32
      %dma_start3A_138 = arith.constant 0 : i32
      %dma_start3A_139 = tpu.memref_slice %arg7[%dma_start3A_137, %dma_start3A_138] : memref<10112x16xf32, #tpu.memory_space<vmem_shared>> -> memref<10112x16xf32, #tpu.memory_space<vmem_shared>>
      tpu.enqueue_indirect_dma source(%arg5 : memref<128x16xf32, #tpu.memory_space<vmem>>) target(%dma_start3A_139 : memref<10112x16xf32, #tpu.memory_space<vmem_shared>>) offsets(%dma_start3A_136 : memref<128xi32, #tpu.memory_space<vmem>>) semaphore(%arg10 : memref<!tpu.dma_semaphore, #tpu.memory_space<semaphore_mem>>) {add = true}
      %mul3A_140 = arith.constant 4 : i32
      %mul3A_141 = arith.muli %mul3A_140, %scan3A_82 : i32
      %add3A_142 = arith.constant 4 : i32
      %add3A_143 = arith.addi %mul3A_141, %add3A_142 : i32
      %add3A_144 = arith.constant 3 : i32
      %add3A_145 = arith.addi %add3A_143, %add3A_144 : i32
      %dma_wait3A_146 = arith.constant 3 : i32
      %dma_wait3A_147 = arith.constant 0 : i32
      %dma_wait3A_148 = tpu.memref_slice %arg4[%dma_wait3A_146, %dma_wait3A_147] : memref<80x128xi32, #tpu.memory_space<vmem>> -> memref<1x128xi32, #tpu.memory_space<vmem>>
      %dma_wait3A_149 = tpu.memref_squeeze %dma_wait3A_148 : memref<1x128xi32, #tpu.memory_space<vmem>> -> memref<128xi32, #tpu.memory_space<vmem>>
      %dma_wait3A_150 = arith.constant 0 : i32
      %dma_wait3A_151 = arith.constant 0 : i32
      %dma_wait3A_152 = tpu.memref_slice %arg7[%dma_wait3A_150, %dma_wait3A_151] : memref<10112x16xf32, #tpu.memory_space<vmem_shared>> -> memref<10112x16xf32, #tpu.memory_space<vmem_shared>>
      tpu.wait_indirect_dma semaphore(%arg11 : memref<!tpu.dma_semaphore, #tpu.memory_space<semaphore_mem>>) src(%arg5 : memref<128x16xf32, #tpu.memory_space<vmem>>) dst(%dma_wait3A_152 : memref<10112x16xf32, #tpu.memory_space<vmem_shared>>)
      %dma_start3A_153 = arith.constant 0 : i32
      %dma_start3A_154 = tpu.memref_slice %arg4[%add3A_145, %dma_start3A_153] : memref<80x128xi32, #tpu.memory_space<vmem>> -> memref<1x128xi32, #tpu.memory_space<vmem>>
      %dma_start3A_155 = tpu.memref_squeeze %dma_start3A_154 : memref<1x128xi32, #tpu.memory_space<vmem>> -> memref<128xi32, #tpu.memory_space<vmem>>
      %dma_start3A_156 = arith.constant 0 : i32
      %dma_start3A_157 = arith.constant 0 : i32
      %dma_start3A_158 = tpu.memref_slice %arg7[%dma_start3A_156, %dma_start3A_157] : memref<10112x16xf32, #tpu.memory_space<vmem_shared>> -> memref<10112x16xf32, #tpu.memory_space<vmem_shared>>
      tpu.enqueue_indirect_dma source(%arg5 : memref<128x16xf32, #tpu.memory_space<vmem>>) target(%dma_start3A_158 : memref<10112x16xf32, #tpu.memory_space<vmem_shared>>) offsets(%dma_start3A_155 : memref<128xi32, #tpu.memory_space<vmem>>) semaphore(%arg11 : memref<!tpu.dma_semaphore, #tpu.memory_space<semaphore_mem>>) {add = true}
    }
    %scan3A_49 = arith.constant 19 : i32
    %dma_wait3A = arith.constant 0 : i32
    %dma_wait3A_50 = arith.constant 0 : i32
    %dma_wait3A_51 = tpu.memref_slice %arg4[%dma_wait3A, %dma_wait3A_50] : memref<80x128xi32, #tpu.memory_space<vmem>> -> memref<1x128xi32, #tpu.memory_space<vmem>>
    %dma_wait3A_52 = tpu.memref_squeeze %dma_wait3A_51 : memref<1x128xi32, #tpu.memory_space<vmem>> -> memref<128xi32, #tpu.memory_space<vmem>>
    %dma_wait3A_53 = arith.constant 0 : i32
    %dma_wait3A_54 = arith.constant 0 : i32
    %dma_wait3A_55 = tpu.memref_slice %arg7[%dma_wait3A_53, %dma_wait3A_54] : memref<10112x16xf32, #tpu.memory_space<vmem_shared>> -> memref<10112x16xf32, #tpu.memory_space<vmem_shared>>
    tpu.wait_indirect_dma semaphore(%arg8 : memref<!tpu.dma_semaphore, #tpu.memory_space<semaphore_mem>>) src(%arg5 : memref<128x16xf32, #tpu.memory_space<vmem>>) dst(%dma_wait3A_55 : memref<10112x16xf32, #tpu.memory_space<vmem_shared>>)
    %dma_wait3A_56 = arith.constant 1 : i32
    %dma_wait3A_57 = arith.constant 0 : i32
    %dma_wait3A_58 = tpu.memref_slice %arg4[%dma_wait3A_56, %dma_wait3A_57] : memref<80x128xi32, #tpu.memory_space<vmem>> -> memref<1x128xi32, #tpu.memory_space<vmem>>
    %dma_wait3A_59 = tpu.memref_squeeze %dma_wait3A_58 : memref<1x128xi32, #tpu.memory_space<vmem>> -> memref<128xi32, #tpu.memory_space<vmem>>
    %dma_wait3A_60 = arith.constant 0 : i32
    %dma_wait3A_61 = arith.constant 0 : i32
    %dma_wait3A_62 = tpu.memref_slice %arg7[%dma_wait3A_60, %dma_wait3A_61] : memref<10112x16xf32, #tpu.memory_space<vmem_shared>> -> memref<10112x16xf32, #tpu.memory_space<vmem_shared>>
    tpu.wait_indirect_dma semaphore(%arg9 : memref<!tpu.dma_semaphore, #tpu.memory_space<semaphore_mem>>) src(%arg5 : memref<128x16xf32, #tpu.memory_space<vmem>>) dst(%dma_wait3A_62 : memref<10112x16xf32, #tpu.memory_space<vmem_shared>>)
    %dma_wait3A_63 = arith.constant 2 : i32
    %dma_wait3A_64 = arith.constant 0 : i32
    %dma_wait3A_65 = tpu.memref_slice %arg4[%dma_wait3A_63, %dma_wait3A_64] : memref<80x128xi32, #tpu.memory_space<vmem>> -> memref<1x128xi32, #tpu.memory_space<vmem>>
    %dma_wait3A_66 = tpu.memref_squeeze %dma_wait3A_65 : memref<1x128xi32, #tpu.memory_space<vmem>> -> memref<128xi32, #tpu.memory_space<vmem>>
    %dma_wait3A_67 = arith.constant 0 : i32
    %dma_wait3A_68 = arith.constant 0 : i32
    %dma_wait3A_69 = tpu.memref_slice %arg7[%dma_wait3A_67, %dma_wait3A_68] : memref<10112x16xf32, #tpu.memory_space<vmem_shared>> -> memref<10112x16xf32, #tpu.memory_space<vmem_shared>>
    tpu.wait_indirect_dma semaphore(%arg10 : memref<!tpu.dma_semaphore, #tpu.memory_space<semaphore_mem>>) src(%arg5 : memref<128x16xf32, #tpu.memory_space<vmem>>) dst(%dma_wait3A_69 : memref<10112x16xf32, #tpu.memory_space<vmem_shared>>)
    %dma_wait3A_70 = arith.constant 3 : i32
    %dma_wait3A_71 = arith.constant 0 : i32
    %dma_wait3A_72 = tpu.memref_slice %arg4[%dma_wait3A_70, %dma_wait3A_71] : memref<80x128xi32, #tpu.memory_space<vmem>> -> memref<1x128xi32, #tpu.memory_space<vmem>>
    %dma_wait3A_73 = tpu.memref_squeeze %dma_wait3A_72 : memref<1x128xi32, #tpu.memory_space<vmem>> -> memref<128xi32, #tpu.memory_space<vmem>>
    %dma_wait3A_74 = arith.constant 0 : i32
    %dma_wait3A_75 = arith.constant 0 : i32
    %dma_wait3A_76 = tpu.memref_slice %arg7[%dma_wait3A_74, %dma_wait3A_75] : memref<10112x16xf32, #tpu.memory_space<vmem_shared>> -> memref<10112x16xf32, #tpu.memory_space<vmem_shared>>
    tpu.wait_indirect_dma semaphore(%arg11 : memref<!tpu.dma_semaphore, #tpu.memory_space<semaphore_mem>>) src(%arg5 : memref<128x16xf32, #tpu.memory_space<vmem>>) dst(%dma_wait3A_76 : memref<10112x16xf32, #tpu.memory_space<vmem_shared>>)
    %barrier3A_77 = arith.constant 0 : index
    tpu.barrier barrier_id(%barrier3A_77)
    %mul3A_78 = arith.constant 632 : i32
    %mul3A_79 = arith.muli %arg1, %mul3A_78 : i32
    "tpu.region"() ({
      %run_scoped3A_82 = tpu.sem_alloc : memref<!tpu.dma_semaphore, #tpu.memory_space<semaphore_mem>>
      %dma_start3A_83 = arith.constant 0 : i32
      %dma_start3A_84 = tpu.memref_slice %arg7[%mul3A_79, %dma_start3A_83] : memref<10112x16xf32, #tpu.memory_space<vmem_shared>> -> memref<632x16xf32, #tpu.memory_space<vmem_shared>>
      %dma_start3A_85 = arith.constant 0 : i32
      %dma_start3A_86 = tpu.memref_slice %arg7[%mul3A_79, %dma_start3A_85] : memref<10112x16xf32, #tpu.memory_space<vmem_shared>> -> memref<632x16xf32, #tpu.memory_space<vmem_shared>>
      tpu.enqueue_dma source(%dma_start3A_86 : memref<632x16xf32, #tpu.memory_space<vmem_shared>>) target(%arg6 : memref<632x16xf32, #tpu.memory_space<vmem>>) target_semaphore(%run_scoped3A_82 : memref<!tpu.dma_semaphore, #tpu.memory_space<semaphore_mem>>)
      %dma_wait3A_87 = arith.constant 0 : i32
      %dma_wait3A_88 = tpu.memref_slice %arg7[%mul3A_79, %dma_wait3A_87] : memref<10112x16xf32, #tpu.memory_space<vmem_shared>> -> memref<632x16xf32, #tpu.memory_space<vmem_shared>>
      %dma_wait3A_89 = arith.constant 0 : i32
      %dma_wait3A_90 = tpu.memref_slice %arg7[%mul3A_79, %dma_wait3A_89] : memref<10112x16xf32, #tpu.memory_space<vmem_shared>> -> memref<632x16xf32, #tpu.memory_space<vmem_shared>>
      tpu.wait_dma2 semaphore(%run_scoped3A_82 : memref<!tpu.dma_semaphore, #tpu.memory_space<semaphore_mem>>) src(%dma_wait3A_90 : memref<632x16xf32, #tpu.memory_space<vmem_shared>>) dst(%arg6 : memref<632x16xf32, #tpu.memory_space<vmem>>)
      tpu.yield
    }) : () -> ()
    %mul3A_80 = arith.constant 632 : i32
    %mul3A_81 = arith.muli %arg1, %mul3A_80 : i32
    "tpu.region"() ({
      %run_scoped3A_82 = tpu.sem_alloc : memref<!tpu.dma_semaphore, #tpu.memory_space<semaphore_mem>>
      %dma_start3A_83 = arith.constant 0 : i32
      %dma_start3A_84 = arith.constant 0 : i32
      %dma_start3A_85 = tpu.memref_slice %arg3[%arg0, %dma_start3A_83, %dma_start3A_84] : memref<2x10112x16xf32, #tpu.memory_space<hbm>> -> memref<1x10112x16xf32, #tpu.memory_space<hbm>>
      %dma_start3A_86 = tpu.memref_squeeze %dma_start3A_85 : memref<1x10112x16xf32, #tpu.memory_space<hbm>> -> memref<10112x16xf32, #tpu.memory_space<hbm>>
      %dma_start3A_87 = arith.constant 0 : i32
      %dma_start3A_88 = tpu.memref_slice %dma_start3A_86[%mul3A_81, %dma_start3A_87] : memref<10112x16xf32, #tpu.memory_space<hbm>> -> memref<632x16xf32, #tpu.memory_space<hbm>>
      %dma_start3A_89 = arith.constant 0 : i32
      %dma_start3A_90 = arith.constant 0 : i32
      %dma_start3A_91 = tpu.memref_slice %arg3[%arg0, %dma_start3A_89, %dma_start3A_90] : memref<2x10112x16xf32, #tpu.memory_space<hbm>> -> memref<1x10112x16xf32, #tpu.memory_space<hbm>>
      %dma_start3A_92 = tpu.memref_squeeze %dma_start3A_91 : memref<1x10112x16xf32, #tpu.memory_space<hbm>> -> memref<10112x16xf32, #tpu.memory_space<hbm>>
      %dma_start3A_93 = arith.constant 0 : i32
      %dma_start3A_94 = tpu.memref_slice %dma_start3A_92[%mul3A_81, %dma_start3A_93] : memref<10112x16xf32, #tpu.memory_space<hbm>> -> memref<632x16xf32, #tpu.memory_space<hbm>>
      tpu.enqueue_dma source(%arg6 : memref<632x16xf32, #tpu.memory_space<vmem>>) target(%dma_start3A_94 : memref<632x16xf32, #tpu.memory_space<hbm>>) target_semaphore(%run_scoped3A_82 : memref<!tpu.dma_semaphore, #tpu.memory_space<semaphore_mem>>)
      %dma_wait3A_95 = arith.constant 0 : i32
      %dma_wait3A_96 = arith.constant 0 : i32
      %dma_wait3A_97 = tpu.memref_slice %arg3[%arg0, %dma_wait3A_95, %dma_wait3A_96] : memref<2x10112x16xf32, #tpu.memory_space<hbm>> -> memref<1x10112x16xf32, #tpu.memory_space<hbm>>
      %dma_wait3A_98 = tpu.memref_squeeze %dma_wait3A_97 : memref<1x10112x16xf32, #tpu.memory_space<hbm>> -> memref<10112x16xf32, #tpu.memory_space<hbm>>
      %dma_wait3A_99 = arith.constant 0 : i32
      %dma_wait3A_100 = tpu.memref_slice %dma_wait3A_98[%mul3A_81, %dma_wait3A_99] : memref<10112x16xf32, #tpu.memory_space<hbm>> -> memref<632x16xf32, #tpu.memory_space<hbm>>
      %dma_wait3A_101 = arith.constant 0 : i32
      %dma_wait3A_102 = arith.constant 0 : i32
      %dma_wait3A_103 = tpu.memref_slice %arg3[%arg0, %dma_wait3A_101, %dma_wait3A_102] : memref<2x10112x16xf32, #tpu.memory_space<hbm>> -> memref<1x10112x16xf32, #tpu.memory_space<hbm>>
      %dma_wait3A_104 = tpu.memref_squeeze %dma_wait3A_103 : memref<1x10112x16xf32, #tpu.memory_space<hbm>> -> memref<10112x16xf32, #tpu.memory_space<hbm>>
      %dma_wait3A_105 = arith.constant 0 : i32
      %dma_wait3A_106 = tpu.memref_slice %dma_wait3A_104[%mul3A_81, %dma_wait3A_105] : memref<10112x16xf32, #tpu.memory_space<hbm>> -> memref<632x16xf32, #tpu.memory_space<hbm>>
      tpu.wait_dma2 semaphore(%run_scoped3A_82 : memref<!tpu.dma_semaphore, #tpu.memory_space<semaphore_mem>>) src(%arg6 : memref<632x16xf32, #tpu.memory_space<vmem>>) dst(%dma_wait3A_106 : memref<632x16xf32, #tpu.memory_space<hbm>>)
      tpu.yield
    }) : () -> ()
    return
  }
}

#map = affine_map<(d0, d1) -> (0, 0)>
#map1 = affine_map<(d0, d1) -> (0, 0, 0, 0)>
#map2 = affine_map<(d0, d1) -> (0, 0, 0)>
module attributes {stable_mosaic.version = 14 : i64} {
  func.func @agg(%arg0: i32, %arg1: i32, %arg2: memref<10112x16xf32, #tpu.memory_space<hbm>>, %arg3: memref<2x32x80x128xi32, #tpu.memory_space<hbm>>, %arg4: memref<2x10112x16xf32, #tpu.memory_space<hbm>>, %arg5: memref<80x128xi32, #tpu.memory_space<vmem>>, %arg6: memref<80x128xi32, #tpu.memory_space<vmem>>, %arg7: memref<128x16xf32, #tpu.memory_space<vmem>>, %arg8: memref<128x16xf32, #tpu.memory_space<vmem>>, %arg9: memref<632x16xf32, #tpu.memory_space<vmem>>, %arg10: memref<10112x16xf32, #tpu.memory_space<vmem_shared>>, %arg11: memref<10112x16xf32, #tpu.memory_space<vmem_shared>>, %arg12: memref<!tpu.dma_semaphore, #tpu.memory_space<semaphore_mem>>, %arg13: memref<!tpu.dma_semaphore, #tpu.memory_space<semaphore_mem>>, %arg14: memref<!tpu.dma_semaphore, #tpu.memory_space<semaphore_mem>>, %arg15: memref<!tpu.dma_semaphore, #tpu.memory_space<semaphore_mem>>) attributes {dimension_semantics = [#tpu.dimension_semantics<core_parallel>, #tpu.dimension_semantics<subcore_parallel>], iteration_bounds = array<i64: 2, 16>, scalar_prefetch = 0 : i64, scratch_operands = 11 : i64, tpu.core_type = #tpu.core_type<sc_vector_subcore>, window_params = [{transform_indices = #map}, {transform_indices = #map1}, {transform_indices = #map2}]} {
    %mul3A = arith.constant 16 : i32
    %mul3A_0 = arith.muli %arg0, %mul3A : i32
    %add3A = arith.addi %mul3A_0, %arg1 : i32
    %run_scoped3A = arith.constant 0 : i32
    "tpu.region"() ({
      %run_scoped3A_51 = tpu.sem_alloc : memref<!tpu.dma_semaphore, #tpu.memory_space<semaphore_mem>>
      %dma_start3A_52 = arith.constant 0 : i32
      %dma_start3A_53 = arith.constant 0 : i32
      %dma_start3A_54 = arith.constant 0 : i32
      %dma_start3A_55 = tpu.memref_slice %arg3[%run_scoped3A, %dma_start3A_52, %dma_start3A_53, %dma_start3A_54] : memref<2x32x80x128xi32, #tpu.memory_space<hbm>> -> memref<1x32x80x128xi32, #tpu.memory_space<hbm>>
      %dma_start3A_56 = tpu.memref_squeeze %dma_start3A_55 : memref<1x32x80x128xi32, #tpu.memory_space<hbm>> -> memref<32x80x128xi32, #tpu.memory_space<hbm>>
      %dma_start3A_57 = arith.constant 0 : i32
      %dma_start3A_58 = arith.constant 0 : i32
      %dma_start3A_59 = tpu.memref_slice %dma_start3A_56[%add3A, %dma_start3A_57, %dma_start3A_58] : memref<32x80x128xi32, #tpu.memory_space<hbm>> -> memref<1x80x128xi32, #tpu.memory_space<hbm>>
      %dma_start3A_60 = tpu.memref_squeeze %dma_start3A_59 : memref<1x80x128xi32, #tpu.memory_space<hbm>> -> memref<80x128xi32, #tpu.memory_space<hbm>>
      %dma_start3A_61 = arith.constant 0 : i32
      %dma_start3A_62 = arith.constant 0 : i32
      %dma_start3A_63 = arith.constant 0 : i32
      %dma_start3A_64 = tpu.memref_slice %arg3[%run_scoped3A, %dma_start3A_61, %dma_start3A_62, %dma_start3A_63] : memref<2x32x80x128xi32, #tpu.memory_space<hbm>> -> memref<1x32x80x128xi32, #tpu.memory_space<hbm>>
      %dma_start3A_65 = tpu.memref_squeeze %dma_start3A_64 : memref<1x32x80x128xi32, #tpu.memory_space<hbm>> -> memref<32x80x128xi32, #tpu.memory_space<hbm>>
      %dma_start3A_66 = arith.constant 0 : i32
      %dma_start3A_67 = arith.constant 0 : i32
      %dma_start3A_68 = tpu.memref_slice %dma_start3A_65[%add3A, %dma_start3A_66, %dma_start3A_67] : memref<32x80x128xi32, #tpu.memory_space<hbm>> -> memref<1x80x128xi32, #tpu.memory_space<hbm>>
      %dma_start3A_69 = tpu.memref_squeeze %dma_start3A_68 : memref<1x80x128xi32, #tpu.memory_space<hbm>> -> memref<80x128xi32, #tpu.memory_space<hbm>>
      tpu.enqueue_dma source(%dma_start3A_69 : memref<80x128xi32, #tpu.memory_space<hbm>>) target(%arg5 : memref<80x128xi32, #tpu.memory_space<vmem>>) target_semaphore(%run_scoped3A_51 : memref<!tpu.dma_semaphore, #tpu.memory_space<semaphore_mem>>)
      %dma_wait3A_70 = arith.constant 0 : i32
      %dma_wait3A_71 = arith.constant 0 : i32
      %dma_wait3A_72 = arith.constant 0 : i32
      %dma_wait3A_73 = tpu.memref_slice %arg3[%run_scoped3A, %dma_wait3A_70, %dma_wait3A_71, %dma_wait3A_72] : memref<2x32x80x128xi32, #tpu.memory_space<hbm>> -> memref<1x32x80x128xi32, #tpu.memory_space<hbm>>
      %dma_wait3A_74 = tpu.memref_squeeze %dma_wait3A_73 : memref<1x32x80x128xi32, #tpu.memory_space<hbm>> -> memref<32x80x128xi32, #tpu.memory_space<hbm>>
      %dma_wait3A_75 = arith.constant 0 : i32
      %dma_wait3A_76 = arith.constant 0 : i32
      %dma_wait3A_77 = tpu.memref_slice %dma_wait3A_74[%add3A, %dma_wait3A_75, %dma_wait3A_76] : memref<32x80x128xi32, #tpu.memory_space<hbm>> -> memref<1x80x128xi32, #tpu.memory_space<hbm>>
      %dma_wait3A_78 = tpu.memref_squeeze %dma_wait3A_77 : memref<1x80x128xi32, #tpu.memory_space<hbm>> -> memref<80x128xi32, #tpu.memory_space<hbm>>
      %dma_wait3A_79 = arith.constant 0 : i32
      %dma_wait3A_80 = arith.constant 0 : i32
      %dma_wait3A_81 = arith.constant 0 : i32
      %dma_wait3A_82 = tpu.memref_slice %arg3[%run_scoped3A, %dma_wait3A_79, %dma_wait3A_80, %dma_wait3A_81] : memref<2x32x80x128xi32, #tpu.memory_space<hbm>> -> memref<1x32x80x128xi32, #tpu.memory_space<hbm>>
      %dma_wait3A_83 = tpu.memref_squeeze %dma_wait3A_82 : memref<1x32x80x128xi32, #tpu.memory_space<hbm>> -> memref<32x80x128xi32, #tpu.memory_space<hbm>>
      %dma_wait3A_84 = arith.constant 0 : i32
      %dma_wait3A_85 = arith.constant 0 : i32
      %dma_wait3A_86 = tpu.memref_slice %dma_wait3A_83[%add3A, %dma_wait3A_84, %dma_wait3A_85] : memref<32x80x128xi32, #tpu.memory_space<hbm>> -> memref<1x80x128xi32, #tpu.memory_space<hbm>>
      %dma_wait3A_87 = tpu.memref_squeeze %dma_wait3A_86 : memref<1x80x128xi32, #tpu.memory_space<hbm>> -> memref<80x128xi32, #tpu.memory_space<hbm>>
      tpu.wait_dma2 semaphore(%run_scoped3A_51 : memref<!tpu.dma_semaphore, #tpu.memory_space<semaphore_mem>>) src(%dma_wait3A_87 : memref<80x128xi32, #tpu.memory_space<hbm>>) dst(%arg5 : memref<80x128xi32, #tpu.memory_space<vmem>>)
      tpu.yield
    }) : () -> ()
    %run_scoped3A_1 = arith.constant 1 : i32
    "tpu.region"() ({
      %run_scoped3A_51 = tpu.sem_alloc : memref<!tpu.dma_semaphore, #tpu.memory_space<semaphore_mem>>
      %dma_start3A_52 = arith.constant 0 : i32
      %dma_start3A_53 = arith.constant 0 : i32
      %dma_start3A_54 = arith.constant 0 : i32
      %dma_start3A_55 = tpu.memref_slice %arg3[%run_scoped3A_1, %dma_start3A_52, %dma_start3A_53, %dma_start3A_54] : memref<2x32x80x128xi32, #tpu.memory_space<hbm>> -> memref<1x32x80x128xi32, #tpu.memory_space<hbm>>
      %dma_start3A_56 = tpu.memref_squeeze %dma_start3A_55 : memref<1x32x80x128xi32, #tpu.memory_space<hbm>> -> memref<32x80x128xi32, #tpu.memory_space<hbm>>
      %dma_start3A_57 = arith.constant 0 : i32
      %dma_start3A_58 = arith.constant 0 : i32
      %dma_start3A_59 = tpu.memref_slice %dma_start3A_56[%add3A, %dma_start3A_57, %dma_start3A_58] : memref<32x80x128xi32, #tpu.memory_space<hbm>> -> memref<1x80x128xi32, #tpu.memory_space<hbm>>
      %dma_start3A_60 = tpu.memref_squeeze %dma_start3A_59 : memref<1x80x128xi32, #tpu.memory_space<hbm>> -> memref<80x128xi32, #tpu.memory_space<hbm>>
      %dma_start3A_61 = arith.constant 0 : i32
      %dma_start3A_62 = arith.constant 0 : i32
      %dma_start3A_63 = arith.constant 0 : i32
      %dma_start3A_64 = tpu.memref_slice %arg3[%run_scoped3A_1, %dma_start3A_61, %dma_start3A_62, %dma_start3A_63] : memref<2x32x80x128xi32, #tpu.memory_space<hbm>> -> memref<1x32x80x128xi32, #tpu.memory_space<hbm>>
      %dma_start3A_65 = tpu.memref_squeeze %dma_start3A_64 : memref<1x32x80x128xi32, #tpu.memory_space<hbm>> -> memref<32x80x128xi32, #tpu.memory_space<hbm>>
      %dma_start3A_66 = arith.constant 0 : i32
      %dma_start3A_67 = arith.constant 0 : i32
      %dma_start3A_68 = tpu.memref_slice %dma_start3A_65[%add3A, %dma_start3A_66, %dma_start3A_67] : memref<32x80x128xi32, #tpu.memory_space<hbm>> -> memref<1x80x128xi32, #tpu.memory_space<hbm>>
      %dma_start3A_69 = tpu.memref_squeeze %dma_start3A_68 : memref<1x80x128xi32, #tpu.memory_space<hbm>> -> memref<80x128xi32, #tpu.memory_space<hbm>>
      tpu.enqueue_dma source(%dma_start3A_69 : memref<80x128xi32, #tpu.memory_space<hbm>>) target(%arg6 : memref<80x128xi32, #tpu.memory_space<vmem>>) target_semaphore(%run_scoped3A_51 : memref<!tpu.dma_semaphore, #tpu.memory_space<semaphore_mem>>)
      %dma_wait3A_70 = arith.constant 0 : i32
      %dma_wait3A_71 = arith.constant 0 : i32
      %dma_wait3A_72 = arith.constant 0 : i32
      %dma_wait3A_73 = tpu.memref_slice %arg3[%run_scoped3A_1, %dma_wait3A_70, %dma_wait3A_71, %dma_wait3A_72] : memref<2x32x80x128xi32, #tpu.memory_space<hbm>> -> memref<1x32x80x128xi32, #tpu.memory_space<hbm>>
      %dma_wait3A_74 = tpu.memref_squeeze %dma_wait3A_73 : memref<1x32x80x128xi32, #tpu.memory_space<hbm>> -> memref<32x80x128xi32, #tpu.memory_space<hbm>>
      %dma_wait3A_75 = arith.constant 0 : i32
      %dma_wait3A_76 = arith.constant 0 : i32
      %dma_wait3A_77 = tpu.memref_slice %dma_wait3A_74[%add3A, %dma_wait3A_75, %dma_wait3A_76] : memref<32x80x128xi32, #tpu.memory_space<hbm>> -> memref<1x80x128xi32, #tpu.memory_space<hbm>>
      %dma_wait3A_78 = tpu.memref_squeeze %dma_wait3A_77 : memref<1x80x128xi32, #tpu.memory_space<hbm>> -> memref<80x128xi32, #tpu.memory_space<hbm>>
      %dma_wait3A_79 = arith.constant 0 : i32
      %dma_wait3A_80 = arith.constant 0 : i32
      %dma_wait3A_81 = arith.constant 0 : i32
      %dma_wait3A_82 = tpu.memref_slice %arg3[%run_scoped3A_1, %dma_wait3A_79, %dma_wait3A_80, %dma_wait3A_81] : memref<2x32x80x128xi32, #tpu.memory_space<hbm>> -> memref<1x32x80x128xi32, #tpu.memory_space<hbm>>
      %dma_wait3A_83 = tpu.memref_squeeze %dma_wait3A_82 : memref<1x32x80x128xi32, #tpu.memory_space<hbm>> -> memref<32x80x128xi32, #tpu.memory_space<hbm>>
      %dma_wait3A_84 = arith.constant 0 : i32
      %dma_wait3A_85 = arith.constant 0 : i32
      %dma_wait3A_86 = tpu.memref_slice %dma_wait3A_83[%add3A, %dma_wait3A_84, %dma_wait3A_85] : memref<32x80x128xi32, #tpu.memory_space<hbm>> -> memref<1x80x128xi32, #tpu.memory_space<hbm>>
      %dma_wait3A_87 = tpu.memref_squeeze %dma_wait3A_86 : memref<1x80x128xi32, #tpu.memory_space<hbm>> -> memref<80x128xi32, #tpu.memory_space<hbm>>
      tpu.wait_dma2 semaphore(%run_scoped3A_51 : memref<!tpu.dma_semaphore, #tpu.memory_space<semaphore_mem>>) src(%dma_wait3A_87 : memref<80x128xi32, #tpu.memory_space<hbm>>) dst(%arg6 : memref<80x128xi32, #tpu.memory_space<vmem>>)
      tpu.yield
    }) : () -> ()
    %mul3A_2 = arith.constant 632 : i32
    %mul3A_3 = arith.muli %arg1, %mul3A_2 : i32
    "tpu.region"() ({
      %run_scoped3A_51 = tpu.sem_alloc : memref<!tpu.dma_semaphore, #tpu.memory_space<semaphore_mem>>
      %dma_start3A_52 = arith.constant 0 : i32
      %dma_start3A_53 = tpu.memref_slice %arg2[%mul3A_3, %dma_start3A_52] : memref<10112x16xf32, #tpu.memory_space<hbm>> -> memref<632x16xf32, #tpu.memory_space<hbm>>
      %dma_start3A_54 = arith.constant 0 : i32
      %dma_start3A_55 = tpu.memref_slice %arg2[%mul3A_3, %dma_start3A_54] : memref<10112x16xf32, #tpu.memory_space<hbm>> -> memref<632x16xf32, #tpu.memory_space<hbm>>
      tpu.enqueue_dma source(%dma_start3A_55 : memref<632x16xf32, #tpu.memory_space<hbm>>) target(%arg9 : memref<632x16xf32, #tpu.memory_space<vmem>>) target_semaphore(%run_scoped3A_51 : memref<!tpu.dma_semaphore, #tpu.memory_space<semaphore_mem>>)
      %dma_wait3A_56 = arith.constant 0 : i32
      %dma_wait3A_57 = tpu.memref_slice %arg2[%mul3A_3, %dma_wait3A_56] : memref<10112x16xf32, #tpu.memory_space<hbm>> -> memref<632x16xf32, #tpu.memory_space<hbm>>
      %dma_wait3A_58 = arith.constant 0 : i32
      %dma_wait3A_59 = tpu.memref_slice %arg2[%mul3A_3, %dma_wait3A_58] : memref<10112x16xf32, #tpu.memory_space<hbm>> -> memref<632x16xf32, #tpu.memory_space<hbm>>
      tpu.wait_dma2 semaphore(%run_scoped3A_51 : memref<!tpu.dma_semaphore, #tpu.memory_space<semaphore_mem>>) src(%dma_wait3A_59 : memref<632x16xf32, #tpu.memory_space<hbm>>) dst(%arg9 : memref<632x16xf32, #tpu.memory_space<vmem>>)
      tpu.yield
    }) : () -> ()
    %mul3A_4 = arith.constant 632 : i32
    %mul3A_5 = arith.muli %arg1, %mul3A_4 : i32
    "tpu.region"() ({
      %run_scoped3A_51 = tpu.sem_alloc : memref<!tpu.dma_semaphore, #tpu.memory_space<semaphore_mem>>
      %dma_start3A_52 = arith.constant 0 : i32
      %dma_start3A_53 = tpu.memref_slice %arg11[%mul3A_5, %dma_start3A_52] : memref<10112x16xf32, #tpu.memory_space<vmem_shared>> -> memref<632x16xf32, #tpu.memory_space<vmem_shared>>
      %dma_start3A_54 = arith.constant 0 : i32
      %dma_start3A_55 = tpu.memref_slice %arg11[%mul3A_5, %dma_start3A_54] : memref<10112x16xf32, #tpu.memory_space<vmem_shared>> -> memref<632x16xf32, #tpu.memory_space<vmem_shared>>
      tpu.enqueue_dma source(%arg9 : memref<632x16xf32, #tpu.memory_space<vmem>>) target(%dma_start3A_55 : memref<632x16xf32, #tpu.memory_space<vmem_shared>>) target_semaphore(%run_scoped3A_51 : memref<!tpu.dma_semaphore, #tpu.memory_space<semaphore_mem>>)
      %dma_wait3A_56 = arith.constant 0 : i32
      %dma_wait3A_57 = tpu.memref_slice %arg11[%mul3A_5, %dma_wait3A_56] : memref<10112x16xf32, #tpu.memory_space<vmem_shared>> -> memref<632x16xf32, #tpu.memory_space<vmem_shared>>
      %dma_wait3A_58 = arith.constant 0 : i32
      %dma_wait3A_59 = tpu.memref_slice %arg11[%mul3A_5, %dma_wait3A_58] : memref<10112x16xf32, #tpu.memory_space<vmem_shared>> -> memref<632x16xf32, #tpu.memory_space<vmem_shared>>
      tpu.wait_dma2 semaphore(%run_scoped3A_51 : memref<!tpu.dma_semaphore, #tpu.memory_space<semaphore_mem>>) src(%arg9 : memref<632x16xf32, #tpu.memory_space<vmem>>) dst(%dma_wait3A_59 : memref<632x16xf32, #tpu.memory_space<vmem_shared>>)
      tpu.yield
    }) : () -> ()
    %broadcast_in_dim3A = arith.constant 0.000000e+00 : f32
    %broadcast_in_dim3A_6 = vector.broadcast %broadcast_in_dim3A : f32 to vector<16xf32>
    %scan3A = arith.constant 0 : i32
    %scan3A_7 = arith.constant 0 : i32
    %scan3A_8 = arith.constant 632 : i32
    %scan3A_9 = arith.addi %scan3A_7, %scan3A_8 : i32
    %scan3A_10 = arith.constant 1 : i32
    scf.for %scan3A_51 = %scan3A_7 to %scan3A_9 step %scan3A_10  : i32 {
      %swap3A = arith.index_cast %scan3A_51 : i32 to index
      %swap3A_52 = arith.constant 0 : index
      %swap3A_53 = tpu.vector_load %arg9[%swap3A, %swap3A_52] {strides = array<i32>} : memref<632x16xf32, #tpu.memory_space<vmem>>, vector<1x16xf32>,
      %swap3A_54 = vector.shape_cast %swap3A_53 : vector<1x16xf32> to vector<16xf32>
      %swap3A_55 = vector.shape_cast %broadcast_in_dim3A_6 : vector<16xf32> to vector<1x16xf32>
      tpu.vector_store %arg9[%swap3A, %swap3A_52], %swap3A_55 {strides = array<i32>} : memref<632x16xf32, #tpu.memory_space<vmem>>, vector<1x16xf32>,
    }
    %scan3A_11 = arith.constant 632 : i32
    %mul3A_12 = arith.constant 632 : i32
    %mul3A_13 = arith.muli %arg1, %mul3A_12 : i32
    "tpu.region"() ({
      %run_scoped3A_51 = tpu.sem_alloc : memref<!tpu.dma_semaphore, #tpu.memory_space<semaphore_mem>>
      %dma_start3A_52 = arith.constant 0 : i32
      %dma_start3A_53 = tpu.memref_slice %arg10[%mul3A_13, %dma_start3A_52] : memref<10112x16xf32, #tpu.memory_space<vmem_shared>> -> memref<632x16xf32, #tpu.memory_space<vmem_shared>>
      %dma_start3A_54 = arith.constant 0 : i32
      %dma_start3A_55 = tpu.memref_slice %arg10[%mul3A_13, %dma_start3A_54] : memref<10112x16xf32, #tpu.memory_space<vmem_shared>> -> memref<632x16xf32, #tpu.memory_space<vmem_shared>>
      tpu.enqueue_dma source(%arg9 : memref<632x16xf32, #tpu.memory_space<vmem>>) target(%dma_start3A_55 : memref<632x16xf32, #tpu.memory_space<vmem_shared>>) target_semaphore(%run_scoped3A_51 : memref<!tpu.dma_semaphore, #tpu.memory_space<semaphore_mem>>)
      %dma_wait3A_56 = arith.constant 0 : i32
      %dma_wait3A_57 = tpu.memref_slice %arg10[%mul3A_13, %dma_wait3A_56] : memref<10112x16xf32, #tpu.memory_space<vmem_shared>> -> memref<632x16xf32, #tpu.memory_space<vmem_shared>>
      %dma_wait3A_58 = arith.constant 0 : i32
      %dma_wait3A_59 = tpu.memref_slice %arg10[%mul3A_13, %dma_wait3A_58] : memref<10112x16xf32, #tpu.memory_space<vmem_shared>> -> memref<632x16xf32, #tpu.memory_space<vmem_shared>>
      tpu.wait_dma2 semaphore(%run_scoped3A_51 : memref<!tpu.dma_semaphore, #tpu.memory_space<semaphore_mem>>) src(%arg9 : memref<632x16xf32, #tpu.memory_space<vmem>>) dst(%dma_wait3A_59 : memref<632x16xf32, #tpu.memory_space<vmem_shared>>)
      tpu.yield
    }) : () -> ()
    %barrier3A = arith.constant 0 : index
    tpu.barrier barrier_id(%barrier3A)
    %dma_start3A = arith.constant 0 : i32
    %dma_start3A_14 = arith.constant 0 : i32
    %dma_start3A_15 = tpu.memref_slice %arg5[%dma_start3A, %dma_start3A_14] : memref<80x128xi32, #tpu.memory_space<vmem>> -> memref<1x128xi32, #tpu.memory_space<vmem>>
    %dma_start3A_16 = tpu.memref_squeeze %dma_start3A_15 : memref<1x128xi32, #tpu.memory_space<vmem>> -> memref<128xi32, #tpu.memory_space<vmem>>
    %dma_start3A_17 = arith.constant 0 : i32
    %dma_start3A_18 = arith.constant 0 : i32
    %dma_start3A_19 = tpu.memref_slice %arg11[%dma_start3A_17, %dma_start3A_18] : memref<10112x16xf32, #tpu.memory_space<vmem_shared>> -> memref<10112x16xf32, #tpu.memory_space<vmem_shared>>
    tpu.enqueue_indirect_dma source(%dma_start3A_19 : memref<10112x16xf32, #tpu.memory_space<vmem_shared>>) target(%arg7 : memref<128x16xf32, #tpu.memory_space<vmem>>) offsets(%dma_start3A_16 : memref<128xi32, #tpu.memory_space<vmem>>) semaphore(%arg12 : memref<!tpu.dma_semaphore, #tpu.memory_space<semaphore_mem>>)
    %dma_start3A_20 = arith.constant 1 : i32
    %dma_start3A_21 = arith.constant 0 : i32
    %dma_start3A_22 = tpu.memref_slice %arg5[%dma_start3A_20, %dma_start3A_21] : memref<80x128xi32, #tpu.memory_space<vmem>> -> memref<1x128xi32, #tpu.memory_space<vmem>>
    %dma_start3A_23 = tpu.memref_squeeze %dma_start3A_22 : memref<1x128xi32, #tpu.memory_space<vmem>> -> memref<128xi32, #tpu.memory_space<vmem>>
    %dma_start3A_24 = arith.constant 0 : i32
    %dma_start3A_25 = arith.constant 0 : i32
    %dma_start3A_26 = tpu.memref_slice %arg11[%dma_start3A_24, %dma_start3A_25] : memref<10112x16xf32, #tpu.memory_space<vmem_shared>> -> memref<10112x16xf32, #tpu.memory_space<vmem_shared>>
    tpu.enqueue_indirect_dma source(%dma_start3A_26 : memref<10112x16xf32, #tpu.memory_space<vmem_shared>>) target(%arg8 : memref<128x16xf32, #tpu.memory_space<vmem>>) offsets(%dma_start3A_23 : memref<128xi32, #tpu.memory_space<vmem>>) semaphore(%arg13 : memref<!tpu.dma_semaphore, #tpu.memory_space<semaphore_mem>>)
    %scan3A_27 = arith.constant 0 : i32
    %scan3A_28 = arith.constant 0 : i32
    %scan3A_29 = arith.constant 40 : i32
    %scan3A_30 = arith.addi %scan3A_28, %scan3A_29 : i32
    %scan3A_31 = arith.constant 1 : i32
    scf.for %scan3A_51 = %scan3A_28 to %scan3A_30 step %scan3A_31  : i32 {
      %mul3A_52 = arith.constant 2 : i32
      %mul3A_53 = arith.muli %mul3A_52, %scan3A_51 : i32
      %add3A_54 = arith.constant 1 : i32
      %add3A_55 = arith.addi %mul3A_53, %add3A_54 : i32
      %dma_wait3A_56 = arith.constant 0 : i32
      %dma_wait3A_57 = tpu.memref_slice %arg5[%mul3A_53, %dma_wait3A_56] : memref<80x128xi32, #tpu.memory_space<vmem>> -> memref<1x128xi32, #tpu.memory_space<vmem>>
      %dma_wait3A_58 = tpu.memref_squeeze %dma_wait3A_57 : memref<1x128xi32, #tpu.memory_space<vmem>> -> memref<128xi32, #tpu.memory_space<vmem>>
      %dma_wait3A_59 = arith.constant 0 : i32
      %dma_wait3A_60 = arith.constant 0 : i32
      %dma_wait3A_61 = tpu.memref_slice %arg11[%dma_wait3A_59, %dma_wait3A_60] : memref<10112x16xf32, #tpu.memory_space<vmem_shared>> -> memref<10112x16xf32, #tpu.memory_space<vmem_shared>>
      tpu.wait_indirect_dma semaphore(%arg12 : memref<!tpu.dma_semaphore, #tpu.memory_space<semaphore_mem>>) src(%dma_wait3A_61 : memref<10112x16xf32, #tpu.memory_space<vmem_shared>>) dst(%arg7 : memref<128x16xf32, #tpu.memory_space<vmem>>)
      %dma_start3A_62 = arith.constant 0 : i32
      %dma_start3A_63 = tpu.memref_slice %arg6[%mul3A_53, %dma_start3A_62] : memref<80x128xi32, #tpu.memory_space<vmem>> -> memref<1x128xi32, #tpu.memory_space<vmem>>
      %dma_start3A_64 = tpu.memref_squeeze %dma_start3A_63 : memref<1x128xi32, #tpu.memory_space<vmem>> -> memref<128xi32, #tpu.memory_space<vmem>>
      %dma_start3A_65 = arith.constant 0 : i32
      %dma_start3A_66 = arith.constant 0 : i32
      %dma_start3A_67 = tpu.memref_slice %arg10[%dma_start3A_65, %dma_start3A_66] : memref<10112x16xf32, #tpu.memory_space<vmem_shared>> -> memref<10112x16xf32, #tpu.memory_space<vmem_shared>>
      tpu.enqueue_indirect_dma source(%arg7 : memref<128x16xf32, #tpu.memory_space<vmem>>) target(%dma_start3A_67 : memref<10112x16xf32, #tpu.memory_space<vmem_shared>>) offsets(%dma_start3A_64 : memref<128xi32, #tpu.memory_space<vmem>>) semaphore(%arg14 : memref<!tpu.dma_semaphore, #tpu.memory_space<semaphore_mem>>) {add = true}
      %dma_wait3A_68 = arith.constant 0 : i32
      %dma_wait3A_69 = tpu.memref_slice %arg5[%add3A_55, %dma_wait3A_68] : memref<80x128xi32, #tpu.memory_space<vmem>> -> memref<1x128xi32, #tpu.memory_space<vmem>>
      %dma_wait3A_70 = tpu.memref_squeeze %dma_wait3A_69 : memref<1x128xi32, #tpu.memory_space<vmem>> -> memref<128xi32, #tpu.memory_space<vmem>>
      %dma_wait3A_71 = arith.constant 0 : i32
      %dma_wait3A_72 = arith.constant 0 : i32
      %dma_wait3A_73 = tpu.memref_slice %arg11[%dma_wait3A_71, %dma_wait3A_72] : memref<10112x16xf32, #tpu.memory_space<vmem_shared>> -> memref<10112x16xf32, #tpu.memory_space<vmem_shared>>
      tpu.wait_indirect_dma semaphore(%arg13 : memref<!tpu.dma_semaphore, #tpu.memory_space<semaphore_mem>>) src(%dma_wait3A_73 : memref<10112x16xf32, #tpu.memory_space<vmem_shared>>) dst(%arg8 : memref<128x16xf32, #tpu.memory_space<vmem>>)
      %dma_start3A_74 = arith.constant 0 : i32
      %dma_start3A_75 = tpu.memref_slice %arg6[%add3A_55, %dma_start3A_74] : memref<80x128xi32, #tpu.memory_space<vmem>> -> memref<1x128xi32, #tpu.memory_space<vmem>>
      %dma_start3A_76 = tpu.memref_squeeze %dma_start3A_75 : memref<1x128xi32, #tpu.memory_space<vmem>> -> memref<128xi32, #tpu.memory_space<vmem>>
      %dma_start3A_77 = arith.constant 0 : i32
      %dma_start3A_78 = arith.constant 0 : i32
      %dma_start3A_79 = tpu.memref_slice %arg10[%dma_start3A_77, %dma_start3A_78] : memref<10112x16xf32, #tpu.memory_space<vmem_shared>> -> memref<10112x16xf32, #tpu.memory_space<vmem_shared>>
      tpu.enqueue_indirect_dma source(%arg8 : memref<128x16xf32, #tpu.memory_space<vmem>>) target(%dma_start3A_79 : memref<10112x16xf32, #tpu.memory_space<vmem_shared>>) offsets(%dma_start3A_76 : memref<128xi32, #tpu.memory_space<vmem>>) semaphore(%arg15 : memref<!tpu.dma_semaphore, #tpu.memory_space<semaphore_mem>>) {add = true}
      %add3A_80 = arith.constant 2 : i32
      %add3A_81 = arith.addi %mul3A_53, %add3A_80 : i32
      %lt3A = arith.constant 80 : i32
      %lt3A_82 = arith.cmpi slt, %add3A_81, %lt3A : i32
      %convert_element_type3A = arith.extui %lt3A_82 : i1 to i32
      %cond3A = arith.constant 0 : i32
      %cond3A_83 = arith.cmpi ne, %convert_element_type3A, %cond3A : i32
      scf.if %cond3A_83 {
        %dma_wait3A_91 = arith.constant 0 : i32
        %dma_wait3A_92 = tpu.memref_slice %arg6[%mul3A_53, %dma_wait3A_91] : memref<80x128xi32, #tpu.memory_space<vmem>> -> memref<1x128xi32, #tpu.memory_space<vmem>>
        %dma_wait3A_93 = tpu.memref_squeeze %dma_wait3A_92 : memref<1x128xi32, #tpu.memory_space<vmem>> -> memref<128xi32, #tpu.memory_space<vmem>>
        %dma_wait3A_94 = arith.constant 0 : i32
        %dma_wait3A_95 = arith.constant 0 : i32
        %dma_wait3A_96 = tpu.memref_slice %arg10[%dma_wait3A_94, %dma_wait3A_95] : memref<10112x16xf32, #tpu.memory_space<vmem_shared>> -> memref<10112x16xf32, #tpu.memory_space<vmem_shared>>
        tpu.wait_indirect_dma semaphore(%arg14 : memref<!tpu.dma_semaphore, #tpu.memory_space<semaphore_mem>>) src(%arg7 : memref<128x16xf32, #tpu.memory_space<vmem>>) dst(%dma_wait3A_96 : memref<10112x16xf32, #tpu.memory_space<vmem_shared>>)
        %add3A_97 = arith.constant 2 : i32
        %add3A_98 = arith.addi %mul3A_53, %add3A_97 : i32
        %dma_start3A_99 = arith.constant 0 : i32
        %dma_start3A_100 = tpu.memref_slice %arg5[%add3A_98, %dma_start3A_99] : memref<80x128xi32, #tpu.memory_space<vmem>> -> memref<1x128xi32, #tpu.memory_space<vmem>>
        %dma_start3A_101 = tpu.memref_squeeze %dma_start3A_100 : memref<1x128xi32, #tpu.memory_space<vmem>> -> memref<128xi32, #tpu.memory_space<vmem>>
        %dma_start3A_102 = arith.constant 0 : i32
        %dma_start3A_103 = arith.constant 0 : i32
        %dma_start3A_104 = tpu.memref_slice %arg11[%dma_start3A_102, %dma_start3A_103] : memref<10112x16xf32, #tpu.memory_space<vmem_shared>> -> memref<10112x16xf32, #tpu.memory_space<vmem_shared>>
        tpu.enqueue_indirect_dma source(%dma_start3A_104 : memref<10112x16xf32, #tpu.memory_space<vmem_shared>>) target(%arg7 : memref<128x16xf32, #tpu.memory_space<vmem>>) offsets(%dma_start3A_101 : memref<128xi32, #tpu.memory_space<vmem>>) semaphore(%arg12 : memref<!tpu.dma_semaphore, #tpu.memory_space<semaphore_mem>>)
      } else {
      }
      %add3A_84 = arith.constant 2 : i32
      %add3A_85 = arith.addi %add3A_55, %add3A_84 : i32
      %lt3A_86 = arith.constant 80 : i32
      %lt3A_87 = arith.cmpi slt, %add3A_85, %lt3A_86 : i32
      %convert_element_type3A_88 = arith.extui %lt3A_87 : i1 to i32
      %cond3A_89 = arith.constant 0 : i32
      %cond3A_90 = arith.cmpi ne, %convert_element_type3A_88, %cond3A_89 : i32
      scf.if %cond3A_90 {
        %dma_wait3A_91 = arith.constant 0 : i32
        %dma_wait3A_92 = tpu.memref_slice %arg6[%add3A_55, %dma_wait3A_91] : memref<80x128xi32, #tpu.memory_space<vmem>> -> memref<1x128xi32, #tpu.memory_space<vmem>>
        %dma_wait3A_93 = tpu.memref_squeeze %dma_wait3A_92 : memref<1x128xi32, #tpu.memory_space<vmem>> -> memref<128xi32, #tpu.memory_space<vmem>>
        %dma_wait3A_94 = arith.constant 0 : i32
        %dma_wait3A_95 = arith.constant 0 : i32
        %dma_wait3A_96 = tpu.memref_slice %arg10[%dma_wait3A_94, %dma_wait3A_95] : memref<10112x16xf32, #tpu.memory_space<vmem_shared>> -> memref<10112x16xf32, #tpu.memory_space<vmem_shared>>
        tpu.wait_indirect_dma semaphore(%arg15 : memref<!tpu.dma_semaphore, #tpu.memory_space<semaphore_mem>>) src(%arg8 : memref<128x16xf32, #tpu.memory_space<vmem>>) dst(%dma_wait3A_96 : memref<10112x16xf32, #tpu.memory_space<vmem_shared>>)
        %add3A_97 = arith.constant 2 : i32
        %add3A_98 = arith.addi %add3A_55, %add3A_97 : i32
        %dma_start3A_99 = arith.constant 0 : i32
        %dma_start3A_100 = tpu.memref_slice %arg5[%add3A_98, %dma_start3A_99] : memref<80x128xi32, #tpu.memory_space<vmem>> -> memref<1x128xi32, #tpu.memory_space<vmem>>
        %dma_start3A_101 = tpu.memref_squeeze %dma_start3A_100 : memref<1x128xi32, #tpu.memory_space<vmem>> -> memref<128xi32, #tpu.memory_space<vmem>>
        %dma_start3A_102 = arith.constant 0 : i32
        %dma_start3A_103 = arith.constant 0 : i32
        %dma_start3A_104 = tpu.memref_slice %arg11[%dma_start3A_102, %dma_start3A_103] : memref<10112x16xf32, #tpu.memory_space<vmem_shared>> -> memref<10112x16xf32, #tpu.memory_space<vmem_shared>>
        tpu.enqueue_indirect_dma source(%dma_start3A_104 : memref<10112x16xf32, #tpu.memory_space<vmem_shared>>) target(%arg8 : memref<128x16xf32, #tpu.memory_space<vmem>>) offsets(%dma_start3A_101 : memref<128xi32, #tpu.memory_space<vmem>>) semaphore(%arg13 : memref<!tpu.dma_semaphore, #tpu.memory_space<semaphore_mem>>)
      } else {
      }
    }
    %scan3A_32 = arith.constant 40 : i32
    %dma_wait3A = arith.constant 0 : i32
    %dma_wait3A_33 = arith.constant 0 : i32
    %dma_wait3A_34 = tpu.memref_slice %arg6[%dma_wait3A, %dma_wait3A_33] : memref<80x128xi32, #tpu.memory_space<vmem>> -> memref<1x128xi32, #tpu.memory_space<vmem>>
    %dma_wait3A_35 = tpu.memref_squeeze %dma_wait3A_34 : memref<1x128xi32, #tpu.memory_space<vmem>> -> memref<128xi32, #tpu.memory_space<vmem>>
    %dma_wait3A_36 = arith.constant 0 : i32
    %dma_wait3A_37 = arith.constant 0 : i32
    %dma_wait3A_38 = tpu.memref_slice %arg10[%dma_wait3A_36, %dma_wait3A_37] : memref<10112x16xf32, #tpu.memory_space<vmem_shared>> -> memref<10112x16xf32, #tpu.memory_space<vmem_shared>>
    tpu.wait_indirect_dma semaphore(%arg14 : memref<!tpu.dma_semaphore, #tpu.memory_space<semaphore_mem>>) src(%arg7 : memref<128x16xf32, #tpu.memory_space<vmem>>) dst(%dma_wait3A_38 : memref<10112x16xf32, #tpu.memory_space<vmem_shared>>)
    %dma_wait3A_39 = arith.constant 1 : i32
    %dma_wait3A_40 = arith.constant 0 : i32
    %dma_wait3A_41 = tpu.memref_slice %arg6[%dma_wait3A_39, %dma_wait3A_40] : memref<80x128xi32, #tpu.memory_space<vmem>> -> memref<1x128xi32, #tpu.memory_space<vmem>>
    %dma_wait3A_42 = tpu.memref_squeeze %dma_wait3A_41 : memref<1x128xi32, #tpu.memory_space<vmem>> -> memref<128xi32, #tpu.memory_space<vmem>>
    %dma_wait3A_43 = arith.constant 0 : i32
    %dma_wait3A_44 = arith.constant 0 : i32
    %dma_wait3A_45 = tpu.memref_slice %arg10[%dma_wait3A_43, %dma_wait3A_44] : memref<10112x16xf32, #tpu.memory_space<vmem_shared>> -> memref<10112x16xf32, #tpu.memory_space<vmem_shared>>
    tpu.wait_indirect_dma semaphore(%arg15 : memref<!tpu.dma_semaphore, #tpu.memory_space<semaphore_mem>>) src(%arg8 : memref<128x16xf32, #tpu.memory_space<vmem>>) dst(%dma_wait3A_45 : memref<10112x16xf32, #tpu.memory_space<vmem_shared>>)
    %barrier3A_46 = arith.constant 0 : index
    tpu.barrier barrier_id(%barrier3A_46)
    %mul3A_47 = arith.constant 632 : i32
    %mul3A_48 = arith.muli %arg1, %mul3A_47 : i32
    "tpu.region"() ({
      %run_scoped3A_51 = tpu.sem_alloc : memref<!tpu.dma_semaphore, #tpu.memory_space<semaphore_mem>>
      %dma_start3A_52 = arith.constant 0 : i32
      %dma_start3A_53 = tpu.memref_slice %arg10[%mul3A_48, %dma_start3A_52] : memref<10112x16xf32, #tpu.memory_space<vmem_shared>> -> memref<632x16xf32, #tpu.memory_space<vmem_shared>>
      %dma_start3A_54 = arith.constant 0 : i32
      %dma_start3A_55 = tpu.memref_slice %arg10[%mul3A_48, %dma_start3A_54] : memref<10112x16xf32, #tpu.memory_space<vmem_shared>> -> memref<632x16xf32, #tpu.memory_space<vmem_shared>>
      tpu.enqueue_dma source(%dma_start3A_55 : memref<632x16xf32, #tpu.memory_space<vmem_shared>>) target(%arg9 : memref<632x16xf32, #tpu.memory_space<vmem>>) target_semaphore(%run_scoped3A_51 : memref<!tpu.dma_semaphore, #tpu.memory_space<semaphore_mem>>)
      %dma_wait3A_56 = arith.constant 0 : i32
      %dma_wait3A_57 = tpu.memref_slice %arg10[%mul3A_48, %dma_wait3A_56] : memref<10112x16xf32, #tpu.memory_space<vmem_shared>> -> memref<632x16xf32, #tpu.memory_space<vmem_shared>>
      %dma_wait3A_58 = arith.constant 0 : i32
      %dma_wait3A_59 = tpu.memref_slice %arg10[%mul3A_48, %dma_wait3A_58] : memref<10112x16xf32, #tpu.memory_space<vmem_shared>> -> memref<632x16xf32, #tpu.memory_space<vmem_shared>>
      tpu.wait_dma2 semaphore(%run_scoped3A_51 : memref<!tpu.dma_semaphore, #tpu.memory_space<semaphore_mem>>) src(%dma_wait3A_59 : memref<632x16xf32, #tpu.memory_space<vmem_shared>>) dst(%arg9 : memref<632x16xf32, #tpu.memory_space<vmem>>)
      tpu.yield
    }) : () -> ()
    %mul3A_49 = arith.constant 632 : i32
    %mul3A_50 = arith.muli %arg1, %mul3A_49 : i32
    "tpu.region"() ({
      %run_scoped3A_51 = tpu.sem_alloc : memref<!tpu.dma_semaphore, #tpu.memory_space<semaphore_mem>>
      %dma_start3A_52 = arith.constant 0 : i32
      %dma_start3A_53 = arith.constant 0 : i32
      %dma_start3A_54 = tpu.memref_slice %arg4[%arg0, %dma_start3A_52, %dma_start3A_53] : memref<2x10112x16xf32, #tpu.memory_space<hbm>> -> memref<1x10112x16xf32, #tpu.memory_space<hbm>>
      %dma_start3A_55 = tpu.memref_squeeze %dma_start3A_54 : memref<1x10112x16xf32, #tpu.memory_space<hbm>> -> memref<10112x16xf32, #tpu.memory_space<hbm>>
      %dma_start3A_56 = arith.constant 0 : i32
      %dma_start3A_57 = tpu.memref_slice %dma_start3A_55[%mul3A_50, %dma_start3A_56] : memref<10112x16xf32, #tpu.memory_space<hbm>> -> memref<632x16xf32, #tpu.memory_space<hbm>>
      %dma_start3A_58 = arith.constant 0 : i32
      %dma_start3A_59 = arith.constant 0 : i32
      %dma_start3A_60 = tpu.memref_slice %arg4[%arg0, %dma_start3A_58, %dma_start3A_59] : memref<2x10112x16xf32, #tpu.memory_space<hbm>> -> memref<1x10112x16xf32, #tpu.memory_space<hbm>>
      %dma_start3A_61 = tpu.memref_squeeze %dma_start3A_60 : memref<1x10112x16xf32, #tpu.memory_space<hbm>> -> memref<10112x16xf32, #tpu.memory_space<hbm>>
      %dma_start3A_62 = arith.constant 0 : i32
      %dma_start3A_63 = tpu.memref_slice %dma_start3A_61[%mul3A_50, %dma_start3A_62] : memref<10112x16xf32, #tpu.memory_space<hbm>> -> memref<632x16xf32, #tpu.memory_space<hbm>>
      tpu.enqueue_dma source(%arg9 : memref<632x16xf32, #tpu.memory_space<vmem>>) target(%dma_start3A_63 : memref<632x16xf32, #tpu.memory_space<hbm>>) target_semaphore(%run_scoped3A_51 : memref<!tpu.dma_semaphore, #tpu.memory_space<semaphore_mem>>)
      %dma_wait3A_64 = arith.constant 0 : i32
      %dma_wait3A_65 = arith.constant 0 : i32
      %dma_wait3A_66 = tpu.memref_slice %arg4[%arg0, %dma_wait3A_64, %dma_wait3A_65] : memref<2x10112x16xf32, #tpu.memory_space<hbm>> -> memref<1x10112x16xf32, #tpu.memory_space<hbm>>
      %dma_wait3A_67 = tpu.memref_squeeze %dma_wait3A_66 : memref<1x10112x16xf32, #tpu.memory_space<hbm>> -> memref<10112x16xf32, #tpu.memory_space<hbm>>
      %dma_wait3A_68 = arith.constant 0 : i32
      %dma_wait3A_69 = tpu.memref_slice %dma_wait3A_67[%mul3A_50, %dma_wait3A_68] : memref<10112x16xf32, #tpu.memory_space<hbm>> -> memref<632x16xf32, #tpu.memory_space<hbm>>
      %dma_wait3A_70 = arith.constant 0 : i32
      %dma_wait3A_71 = arith.constant 0 : i32
      %dma_wait3A_72 = tpu.memref_slice %arg4[%arg0, %dma_wait3A_70, %dma_wait3A_71] : memref<2x10112x16xf32, #tpu.memory_space<hbm>> -> memref<1x10112x16xf32, #tpu.memory_space<hbm>>
      %dma_wait3A_73 = tpu.memref_squeeze %dma_wait3A_72 : memref<1x10112x16xf32, #tpu.memory_space<hbm>> -> memref<10112x16xf32, #tpu.memory_space<hbm>>
      %dma_wait3A_74 = arith.constant 0 : i32
      %dma_wait3A_75 = tpu.memref_slice %dma_wait3A_73[%mul3A_50, %dma_wait3A_74] : memref<10112x16xf32, #tpu.memory_space<hbm>> -> memref<632x16xf32, #tpu.memory_space<hbm>>
      tpu.wait_dma2 semaphore(%run_scoped3A_51 : memref<!tpu.dma_semaphore, #tpu.memory_space<semaphore_mem>>) src(%arg9 : memref<632x16xf32, #tpu.memory_space<vmem>>) dst(%dma_wait3A_75 : memref<632x16xf32, #tpu.memory_space<hbm>>)
      tpu.yield
    }) : () -> ()
    return
  }
}

#map = affine_map<(d0, d1) -> (0, 0)>
#map1 = affine_map<(d0, d1) -> (0, 0, 0, 0)>
#map2 = affine_map<(d0, d1) -> (0, 0, 0)>
module attributes {stable_mosaic.version = 14 : i64} {
  func.func @agg(%arg0: i32, %arg1: i32, %arg2: memref<10112x16xf32, #tpu.memory_space<hbm>>, %arg3: memref<2x32x80x128xi32, #tpu.memory_space<hbm>>, %arg4: memref<2x10112x16xf32, #tpu.memory_space<hbm>>, %arg5: memref<80x128xi32, #tpu.memory_space<vmem>>, %arg6: memref<80x128xi32, #tpu.memory_space<vmem>>, %arg7: memref<128x16xf32, #tpu.memory_space<vmem>>, %arg8: memref<128x16xf32, #tpu.memory_space<vmem>>, %arg9: memref<632x16xf32, #tpu.memory_space<vmem>>, %arg10: memref<10112x16xf32, #tpu.memory_space<vmem_shared>>, %arg11: memref<10112x16xf32, #tpu.memory_space<vmem_shared>>, %arg12: memref<!tpu.dma_semaphore, #tpu.memory_space<semaphore_mem>>, %arg13: memref<!tpu.dma_semaphore, #tpu.memory_space<semaphore_mem>>, %arg14: memref<!tpu.dma_semaphore, #tpu.memory_space<semaphore_mem>>, %arg15: memref<!tpu.dma_semaphore, #tpu.memory_space<semaphore_mem>>) attributes {dimension_semantics = [#tpu.dimension_semantics<core_parallel>, #tpu.dimension_semantics<subcore_parallel>], iteration_bounds = array<i64: 2, 16>, scalar_prefetch = 0 : i64, scratch_operands = 11 : i64, tpu.core_type = #tpu.core_type<sc_vector_subcore>, window_params = [{transform_indices = #map}, {transform_indices = #map1}, {transform_indices = #map2}]} {
    %mul3A = arith.constant 16 : i32
    %mul3A_0 = arith.muli %arg0, %mul3A : i32
    %add3A = arith.addi %mul3A_0, %arg1 : i32
    %run_scoped3A = arith.constant 0 : i32
    "tpu.region"() ({
      %run_scoped3A_51 = tpu.sem_alloc : memref<!tpu.dma_semaphore, #tpu.memory_space<semaphore_mem>>
      %dma_start3A_52 = arith.constant 0 : i32
      %dma_start3A_53 = arith.constant 0 : i32
      %dma_start3A_54 = arith.constant 0 : i32
      %dma_start3A_55 = tpu.memref_slice %arg3[%run_scoped3A, %dma_start3A_52, %dma_start3A_53, %dma_start3A_54] : memref<2x32x80x128xi32, #tpu.memory_space<hbm>> -> memref<1x32x80x128xi32, #tpu.memory_space<hbm>>
      %dma_start3A_56 = tpu.memref_squeeze %dma_start3A_55 : memref<1x32x80x128xi32, #tpu.memory_space<hbm>> -> memref<32x80x128xi32, #tpu.memory_space<hbm>>
      %dma_start3A_57 = arith.constant 0 : i32
      %dma_start3A_58 = arith.constant 0 : i32
      %dma_start3A_59 = tpu.memref_slice %dma_start3A_56[%add3A, %dma_start3A_57, %dma_start3A_58] : memref<32x80x128xi32, #tpu.memory_space<hbm>> -> memref<1x80x128xi32, #tpu.memory_space<hbm>>
      %dma_start3A_60 = tpu.memref_squeeze %dma_start3A_59 : memref<1x80x128xi32, #tpu.memory_space<hbm>> -> memref<80x128xi32, #tpu.memory_space<hbm>>
      %dma_start3A_61 = arith.constant 0 : i32
      %dma_start3A_62 = arith.constant 0 : i32
      %dma_start3A_63 = arith.constant 0 : i32
      %dma_start3A_64 = tpu.memref_slice %arg3[%run_scoped3A, %dma_start3A_61, %dma_start3A_62, %dma_start3A_63] : memref<2x32x80x128xi32, #tpu.memory_space<hbm>> -> memref<1x32x80x128xi32, #tpu.memory_space<hbm>>
      %dma_start3A_65 = tpu.memref_squeeze %dma_start3A_64 : memref<1x32x80x128xi32, #tpu.memory_space<hbm>> -> memref<32x80x128xi32, #tpu.memory_space<hbm>>
      %dma_start3A_66 = arith.constant 0 : i32
      %dma_start3A_67 = arith.constant 0 : i32
      %dma_start3A_68 = tpu.memref_slice %dma_start3A_65[%add3A, %dma_start3A_66, %dma_start3A_67] : memref<32x80x128xi32, #tpu.memory_space<hbm>> -> memref<1x80x128xi32, #tpu.memory_space<hbm>>
      %dma_start3A_69 = tpu.memref_squeeze %dma_start3A_68 : memref<1x80x128xi32, #tpu.memory_space<hbm>> -> memref<80x128xi32, #tpu.memory_space<hbm>>
      tpu.enqueue_dma source(%dma_start3A_69 : memref<80x128xi32, #tpu.memory_space<hbm>>) target(%arg5 : memref<80x128xi32, #tpu.memory_space<vmem>>) target_semaphore(%run_scoped3A_51 : memref<!tpu.dma_semaphore, #tpu.memory_space<semaphore_mem>>)
      %dma_wait3A_70 = arith.constant 0 : i32
      %dma_wait3A_71 = arith.constant 0 : i32
      %dma_wait3A_72 = arith.constant 0 : i32
      %dma_wait3A_73 = tpu.memref_slice %arg3[%run_scoped3A, %dma_wait3A_70, %dma_wait3A_71, %dma_wait3A_72] : memref<2x32x80x128xi32, #tpu.memory_space<hbm>> -> memref<1x32x80x128xi32, #tpu.memory_space<hbm>>
      %dma_wait3A_74 = tpu.memref_squeeze %dma_wait3A_73 : memref<1x32x80x128xi32, #tpu.memory_space<hbm>> -> memref<32x80x128xi32, #tpu.memory_space<hbm>>
      %dma_wait3A_75 = arith.constant 0 : i32
      %dma_wait3A_76 = arith.constant 0 : i32
      %dma_wait3A_77 = tpu.memref_slice %dma_wait3A_74[%add3A, %dma_wait3A_75, %dma_wait3A_76] : memref<32x80x128xi32, #tpu.memory_space<hbm>> -> memref<1x80x128xi32, #tpu.memory_space<hbm>>
      %dma_wait3A_78 = tpu.memref_squeeze %dma_wait3A_77 : memref<1x80x128xi32, #tpu.memory_space<hbm>> -> memref<80x128xi32, #tpu.memory_space<hbm>>
      %dma_wait3A_79 = arith.constant 0 : i32
      %dma_wait3A_80 = arith.constant 0 : i32
      %dma_wait3A_81 = arith.constant 0 : i32
      %dma_wait3A_82 = tpu.memref_slice %arg3[%run_scoped3A, %dma_wait3A_79, %dma_wait3A_80, %dma_wait3A_81] : memref<2x32x80x128xi32, #tpu.memory_space<hbm>> -> memref<1x32x80x128xi32, #tpu.memory_space<hbm>>
      %dma_wait3A_83 = tpu.memref_squeeze %dma_wait3A_82 : memref<1x32x80x128xi32, #tpu.memory_space<hbm>> -> memref<32x80x128xi32, #tpu.memory_space<hbm>>
      %dma_wait3A_84 = arith.constant 0 : i32
      %dma_wait3A_85 = arith.constant 0 : i32
      %dma_wait3A_86 = tpu.memref_slice %dma_wait3A_83[%add3A, %dma_wait3A_84, %dma_wait3A_85] : memref<32x80x128xi32, #tpu.memory_space<hbm>> -> memref<1x80x128xi32, #tpu.memory_space<hbm>>
      %dma_wait3A_87 = tpu.memref_squeeze %dma_wait3A_86 : memref<1x80x128xi32, #tpu.memory_space<hbm>> -> memref<80x128xi32, #tpu.memory_space<hbm>>
      tpu.wait_dma2 semaphore(%run_scoped3A_51 : memref<!tpu.dma_semaphore, #tpu.memory_space<semaphore_mem>>) src(%dma_wait3A_87 : memref<80x128xi32, #tpu.memory_space<hbm>>) dst(%arg5 : memref<80x128xi32, #tpu.memory_space<vmem>>)
      tpu.yield
    }) : () -> ()
    %run_scoped3A_1 = arith.constant 1 : i32
    "tpu.region"() ({
      %run_scoped3A_51 = tpu.sem_alloc : memref<!tpu.dma_semaphore, #tpu.memory_space<semaphore_mem>>
      %dma_start3A_52 = arith.constant 0 : i32
      %dma_start3A_53 = arith.constant 0 : i32
      %dma_start3A_54 = arith.constant 0 : i32
      %dma_start3A_55 = tpu.memref_slice %arg3[%run_scoped3A_1, %dma_start3A_52, %dma_start3A_53, %dma_start3A_54] : memref<2x32x80x128xi32, #tpu.memory_space<hbm>> -> memref<1x32x80x128xi32, #tpu.memory_space<hbm>>
      %dma_start3A_56 = tpu.memref_squeeze %dma_start3A_55 : memref<1x32x80x128xi32, #tpu.memory_space<hbm>> -> memref<32x80x128xi32, #tpu.memory_space<hbm>>
      %dma_start3A_57 = arith.constant 0 : i32
      %dma_start3A_58 = arith.constant 0 : i32
      %dma_start3A_59 = tpu.memref_slice %dma_start3A_56[%add3A, %dma_start3A_57, %dma_start3A_58] : memref<32x80x128xi32, #tpu.memory_space<hbm>> -> memref<1x80x128xi32, #tpu.memory_space<hbm>>
      %dma_start3A_60 = tpu.memref_squeeze %dma_start3A_59 : memref<1x80x128xi32, #tpu.memory_space<hbm>> -> memref<80x128xi32, #tpu.memory_space<hbm>>
      %dma_start3A_61 = arith.constant 0 : i32
      %dma_start3A_62 = arith.constant 0 : i32
      %dma_start3A_63 = arith.constant 0 : i32
      %dma_start3A_64 = tpu.memref_slice %arg3[%run_scoped3A_1, %dma_start3A_61, %dma_start3A_62, %dma_start3A_63] : memref<2x32x80x128xi32, #tpu.memory_space<hbm>> -> memref<1x32x80x128xi32, #tpu.memory_space<hbm>>
      %dma_start3A_65 = tpu.memref_squeeze %dma_start3A_64 : memref<1x32x80x128xi32, #tpu.memory_space<hbm>> -> memref<32x80x128xi32, #tpu.memory_space<hbm>>
      %dma_start3A_66 = arith.constant 0 : i32
      %dma_start3A_67 = arith.constant 0 : i32
      %dma_start3A_68 = tpu.memref_slice %dma_start3A_65[%add3A, %dma_start3A_66, %dma_start3A_67] : memref<32x80x128xi32, #tpu.memory_space<hbm>> -> memref<1x80x128xi32, #tpu.memory_space<hbm>>
      %dma_start3A_69 = tpu.memref_squeeze %dma_start3A_68 : memref<1x80x128xi32, #tpu.memory_space<hbm>> -> memref<80x128xi32, #tpu.memory_space<hbm>>
      tpu.enqueue_dma source(%dma_start3A_69 : memref<80x128xi32, #tpu.memory_space<hbm>>) target(%arg6 : memref<80x128xi32, #tpu.memory_space<vmem>>) target_semaphore(%run_scoped3A_51 : memref<!tpu.dma_semaphore, #tpu.memory_space<semaphore_mem>>)
      %dma_wait3A_70 = arith.constant 0 : i32
      %dma_wait3A_71 = arith.constant 0 : i32
      %dma_wait3A_72 = arith.constant 0 : i32
      %dma_wait3A_73 = tpu.memref_slice %arg3[%run_scoped3A_1, %dma_wait3A_70, %dma_wait3A_71, %dma_wait3A_72] : memref<2x32x80x128xi32, #tpu.memory_space<hbm>> -> memref<1x32x80x128xi32, #tpu.memory_space<hbm>>
      %dma_wait3A_74 = tpu.memref_squeeze %dma_wait3A_73 : memref<1x32x80x128xi32, #tpu.memory_space<hbm>> -> memref<32x80x128xi32, #tpu.memory_space<hbm>>
      %dma_wait3A_75 = arith.constant 0 : i32
      %dma_wait3A_76 = arith.constant 0 : i32
      %dma_wait3A_77 = tpu.memref_slice %dma_wait3A_74[%add3A, %dma_wait3A_75, %dma_wait3A_76] : memref<32x80x128xi32, #tpu.memory_space<hbm>> -> memref<1x80x128xi32, #tpu.memory_space<hbm>>
      %dma_wait3A_78 = tpu.memref_squeeze %dma_wait3A_77 : memref<1x80x128xi32, #tpu.memory_space<hbm>> -> memref<80x128xi32, #tpu.memory_space<hbm>>
      %dma_wait3A_79 = arith.constant 0 : i32
      %dma_wait3A_80 = arith.constant 0 : i32
      %dma_wait3A_81 = arith.constant 0 : i32
      %dma_wait3A_82 = tpu.memref_slice %arg3[%run_scoped3A_1, %dma_wait3A_79, %dma_wait3A_80, %dma_wait3A_81] : memref<2x32x80x128xi32, #tpu.memory_space<hbm>> -> memref<1x32x80x128xi32, #tpu.memory_space<hbm>>
      %dma_wait3A_83 = tpu.memref_squeeze %dma_wait3A_82 : memref<1x32x80x128xi32, #tpu.memory_space<hbm>> -> memref<32x80x128xi32, #tpu.memory_space<hbm>>
      %dma_wait3A_84 = arith.constant 0 : i32
      %dma_wait3A_85 = arith.constant 0 : i32
      %dma_wait3A_86 = tpu.memref_slice %dma_wait3A_83[%add3A, %dma_wait3A_84, %dma_wait3A_85] : memref<32x80x128xi32, #tpu.memory_space<hbm>> -> memref<1x80x128xi32, #tpu.memory_space<hbm>>
      %dma_wait3A_87 = tpu.memref_squeeze %dma_wait3A_86 : memref<1x80x128xi32, #tpu.memory_space<hbm>> -> memref<80x128xi32, #tpu.memory_space<hbm>>
      tpu.wait_dma2 semaphore(%run_scoped3A_51 : memref<!tpu.dma_semaphore, #tpu.memory_space<semaphore_mem>>) src(%dma_wait3A_87 : memref<80x128xi32, #tpu.memory_space<hbm>>) dst(%arg6 : memref<80x128xi32, #tpu.memory_space<vmem>>)
      tpu.yield
    }) : () -> ()
    %mul3A_2 = arith.constant 632 : i32
    %mul3A_3 = arith.muli %arg1, %mul3A_2 : i32
    "tpu.region"() ({
      %run_scoped3A_51 = tpu.sem_alloc : memref<!tpu.dma_semaphore, #tpu.memory_space<semaphore_mem>>
      %dma_start3A_52 = arith.constant 0 : i32
      %dma_start3A_53 = tpu.memref_slice %arg2[%mul3A_3, %dma_start3A_52] : memref<10112x16xf32, #tpu.memory_space<hbm>> -> memref<632x16xf32, #tpu.memory_space<hbm>>
      %dma_start3A_54 = arith.constant 0 : i32
      %dma_start3A_55 = tpu.memref_slice %arg2[%mul3A_3, %dma_start3A_54] : memref<10112x16xf32, #tpu.memory_space<hbm>> -> memref<632x16xf32, #tpu.memory_space<hbm>>
      tpu.enqueue_dma source(%dma_start3A_55 : memref<632x16xf32, #tpu.memory_space<hbm>>) target(%arg9 : memref<632x16xf32, #tpu.memory_space<vmem>>) target_semaphore(%run_scoped3A_51 : memref<!tpu.dma_semaphore, #tpu.memory_space<semaphore_mem>>)
      %dma_wait3A_56 = arith.constant 0 : i32
      %dma_wait3A_57 = tpu.memref_slice %arg2[%mul3A_3, %dma_wait3A_56] : memref<10112x16xf32, #tpu.memory_space<hbm>> -> memref<632x16xf32, #tpu.memory_space<hbm>>
      %dma_wait3A_58 = arith.constant 0 : i32
      %dma_wait3A_59 = tpu.memref_slice %arg2[%mul3A_3, %dma_wait3A_58] : memref<10112x16xf32, #tpu.memory_space<hbm>> -> memref<632x16xf32, #tpu.memory_space<hbm>>
      tpu.wait_dma2 semaphore(%run_scoped3A_51 : memref<!tpu.dma_semaphore, #tpu.memory_space<semaphore_mem>>) src(%dma_wait3A_59 : memref<632x16xf32, #tpu.memory_space<hbm>>) dst(%arg9 : memref<632x16xf32, #tpu.memory_space<vmem>>)
      tpu.yield
    }) : () -> ()
    %mul3A_4 = arith.constant 632 : i32
    %mul3A_5 = arith.muli %arg1, %mul3A_4 : i32
    "tpu.region"() ({
      %run_scoped3A_51 = tpu.sem_alloc : memref<!tpu.dma_semaphore, #tpu.memory_space<semaphore_mem>>
      %dma_start3A_52 = arith.constant 0 : i32
      %dma_start3A_53 = tpu.memref_slice %arg11[%mul3A_5, %dma_start3A_52] : memref<10112x16xf32, #tpu.memory_space<vmem_shared>> -> memref<632x16xf32, #tpu.memory_space<vmem_shared>>
      %dma_start3A_54 = arith.constant 0 : i32
      %dma_start3A_55 = tpu.memref_slice %arg11[%mul3A_5, %dma_start3A_54] : memref<10112x16xf32, #tpu.memory_space<vmem_shared>> -> memref<632x16xf32, #tpu.memory_space<vmem_shared>>
      tpu.enqueue_dma source(%arg9 : memref<632x16xf32, #tpu.memory_space<vmem>>) target(%dma_start3A_55 : memref<632x16xf32, #tpu.memory_space<vmem_shared>>) target_semaphore(%run_scoped3A_51 : memref<!tpu.dma_semaphore, #tpu.memory_space<semaphore_mem>>)
      %dma_wait3A_56 = arith.constant 0 : i32
      %dma_wait3A_57 = tpu.memref_slice %arg11[%mul3A_5, %dma_wait3A_56] : memref<10112x16xf32, #tpu.memory_space<vmem_shared>> -> memref<632x16xf32, #tpu.memory_space<vmem_shared>>
      %dma_wait3A_58 = arith.constant 0 : i32
      %dma_wait3A_59 = tpu.memref_slice %arg11[%mul3A_5, %dma_wait3A_58] : memref<10112x16xf32, #tpu.memory_space<vmem_shared>> -> memref<632x16xf32, #tpu.memory_space<vmem_shared>>
      tpu.wait_dma2 semaphore(%run_scoped3A_51 : memref<!tpu.dma_semaphore, #tpu.memory_space<semaphore_mem>>) src(%arg9 : memref<632x16xf32, #tpu.memory_space<vmem>>) dst(%dma_wait3A_59 : memref<632x16xf32, #tpu.memory_space<vmem_shared>>)
      tpu.yield
    }) : () -> ()
    %broadcast_in_dim3A = arith.constant 0.000000e+00 : f32
    %broadcast_in_dim3A_6 = vector.broadcast %broadcast_in_dim3A : f32 to vector<16xf32>
    %scan3A = arith.constant 0 : i32
    %scan3A_7 = arith.constant 0 : i32
    %scan3A_8 = arith.constant 632 : i32
    %scan3A_9 = arith.addi %scan3A_7, %scan3A_8 : i32
    %scan3A_10 = arith.constant 1 : i32
    scf.for %scan3A_51 = %scan3A_7 to %scan3A_9 step %scan3A_10  : i32 {
      %swap3A = arith.index_cast %scan3A_51 : i32 to index
      %swap3A_52 = arith.constant 0 : index
      %swap3A_53 = tpu.vector_load %arg9[%swap3A, %swap3A_52] {strides = array<i32>} : memref<632x16xf32, #tpu.memory_space<vmem>>, vector<1x16xf32>,
      %swap3A_54 = vector.shape_cast %swap3A_53 : vector<1x16xf32> to vector<16xf32>
      %swap3A_55 = vector.shape_cast %broadcast_in_dim3A_6 : vector<16xf32> to vector<1x16xf32>
      tpu.vector_store %arg9[%swap3A, %swap3A_52], %swap3A_55 {strides = array<i32>} : memref<632x16xf32, #tpu.memory_space<vmem>>, vector<1x16xf32>,
    }
    %scan3A_11 = arith.constant 632 : i32
    %mul3A_12 = arith.constant 632 : i32
    %mul3A_13 = arith.muli %arg1, %mul3A_12 : i32
    "tpu.region"() ({
      %run_scoped3A_51 = tpu.sem_alloc : memref<!tpu.dma_semaphore, #tpu.memory_space<semaphore_mem>>
      %dma_start3A_52 = arith.constant 0 : i32
      %dma_start3A_53 = tpu.memref_slice %arg10[%mul3A_13, %dma_start3A_52] : memref<10112x16xf32, #tpu.memory_space<vmem_shared>> -> memref<632x16xf32, #tpu.memory_space<vmem_shared>>
      %dma_start3A_54 = arith.constant 0 : i32
      %dma_start3A_55 = tpu.memref_slice %arg10[%mul3A_13, %dma_start3A_54] : memref<10112x16xf32, #tpu.memory_space<vmem_shared>> -> memref<632x16xf32, #tpu.memory_space<vmem_shared>>
      tpu.enqueue_dma source(%arg9 : memref<632x16xf32, #tpu.memory_space<vmem>>) target(%dma_start3A_55 : memref<632x16xf32, #tpu.memory_space<vmem_shared>>) target_semaphore(%run_scoped3A_51 : memref<!tpu.dma_semaphore, #tpu.memory_space<semaphore_mem>>)
      %dma_wait3A_56 = arith.constant 0 : i32
      %dma_wait3A_57 = tpu.memref_slice %arg10[%mul3A_13, %dma_wait3A_56] : memref<10112x16xf32, #tpu.memory_space<vmem_shared>> -> memref<632x16xf32, #tpu.memory_space<vmem_shared>>
      %dma_wait3A_58 = arith.constant 0 : i32
      %dma_wait3A_59 = tpu.memref_slice %arg10[%mul3A_13, %dma_wait3A_58] : memref<10112x16xf32, #tpu.memory_space<vmem_shared>> -> memref<632x16xf32, #tpu.memory_space<vmem_shared>>
      tpu.wait_dma2 semaphore(%run_scoped3A_51 : memref<!tpu.dma_semaphore, #tpu.memory_space<semaphore_mem>>) src(%arg9 : memref<632x16xf32, #tpu.memory_space<vmem>>) dst(%dma_wait3A_59 : memref<632x16xf32, #tpu.memory_space<vmem_shared>>)
      tpu.yield
    }) : () -> ()
    %barrier3A = arith.constant 0 : index
    tpu.barrier barrier_id(%barrier3A)
    %dma_start3A = arith.constant 0 : i32
    %dma_start3A_14 = arith.constant 0 : i32
    %dma_start3A_15 = tpu.memref_slice %arg5[%dma_start3A, %dma_start3A_14] : memref<80x128xi32, #tpu.memory_space<vmem>> -> memref<1x128xi32, #tpu.memory_space<vmem>>
    %dma_start3A_16 = tpu.memref_squeeze %dma_start3A_15 : memref<1x128xi32, #tpu.memory_space<vmem>> -> memref<128xi32, #tpu.memory_space<vmem>>
    %dma_start3A_17 = arith.constant 0 : i32
    %dma_start3A_18 = arith.constant 0 : i32
    %dma_start3A_19 = tpu.memref_slice %arg11[%dma_start3A_17, %dma_start3A_18] : memref<10112x16xf32, #tpu.memory_space<vmem_shared>> -> memref<10112x16xf32, #tpu.memory_space<vmem_shared>>
    tpu.enqueue_indirect_dma source(%dma_start3A_19 : memref<10112x16xf32, #tpu.memory_space<vmem_shared>>) target(%arg7 : memref<128x16xf32, #tpu.memory_space<vmem>>) offsets(%dma_start3A_16 : memref<128xi32, #tpu.memory_space<vmem>>) semaphore(%arg12 : memref<!tpu.dma_semaphore, #tpu.memory_space<semaphore_mem>>)
    %dma_start3A_20 = arith.constant 1 : i32
    %dma_start3A_21 = arith.constant 0 : i32
    %dma_start3A_22 = tpu.memref_slice %arg5[%dma_start3A_20, %dma_start3A_21] : memref<80x128xi32, #tpu.memory_space<vmem>> -> memref<1x128xi32, #tpu.memory_space<vmem>>
    %dma_start3A_23 = tpu.memref_squeeze %dma_start3A_22 : memref<1x128xi32, #tpu.memory_space<vmem>> -> memref<128xi32, #tpu.memory_space<vmem>>
    %dma_start3A_24 = arith.constant 0 : i32
    %dma_start3A_25 = arith.constant 0 : i32
    %dma_start3A_26 = tpu.memref_slice %arg11[%dma_start3A_24, %dma_start3A_25] : memref<10112x16xf32, #tpu.memory_space<vmem_shared>> -> memref<10112x16xf32, #tpu.memory_space<vmem_shared>>
    tpu.enqueue_indirect_dma source(%dma_start3A_26 : memref<10112x16xf32, #tpu.memory_space<vmem_shared>>) target(%arg8 : memref<128x16xf32, #tpu.memory_space<vmem>>) offsets(%dma_start3A_23 : memref<128xi32, #tpu.memory_space<vmem>>) semaphore(%arg13 : memref<!tpu.dma_semaphore, #tpu.memory_space<semaphore_mem>>)
    %scan3A_27 = arith.constant 0 : i32
    %scan3A_28 = arith.constant 0 : i32
    %scan3A_29 = arith.constant 40 : i32
    %scan3A_30 = arith.addi %scan3A_28, %scan3A_29 : i32
    %scan3A_31 = arith.constant 1 : i32
    scf.for %scan3A_51 = %scan3A_28 to %scan3A_30 step %scan3A_31  : i32 {
      %mul3A_52 = arith.constant 2 : i32
      %mul3A_53 = arith.muli %mul3A_52, %scan3A_51 : i32
      %add3A_54 = arith.constant 1 : i32
      %add3A_55 = arith.addi %mul3A_53, %add3A_54 : i32
      %dma_wait3A_56 = arith.constant 0 : i32
      %dma_wait3A_57 = tpu.memref_slice %arg5[%mul3A_53, %dma_wait3A_56] : memref<80x128xi32, #tpu.memory_space<vmem>> -> memref<1x128xi32, #tpu.memory_space<vmem>>
      %dma_wait3A_58 = tpu.memref_squeeze %dma_wait3A_57 : memref<1x128xi32, #tpu.memory_space<vmem>> -> memref<128xi32, #tpu.memory_space<vmem>>
      %dma_wait3A_59 = arith.constant 0 : i32
      %dma_wait3A_60 = arith.constant 0 : i32
      %dma_wait3A_61 = tpu.memref_slice %arg11[%dma_wait3A_59, %dma_wait3A_60] : memref<10112x16xf32, #tpu.memory_space<vmem_shared>> -> memref<10112x16xf32, #tpu.memory_space<vmem_shared>>
      tpu.wait_indirect_dma semaphore(%arg12 : memref<!tpu.dma_semaphore, #tpu.memory_space<semaphore_mem>>) src(%dma_wait3A_61 : memref<10112x16xf32, #tpu.memory_space<vmem_shared>>) dst(%arg7 : memref<128x16xf32, #tpu.memory_space<vmem>>)
      %dma_start3A_62 = arith.constant 0 : i32
      %dma_start3A_63 = tpu.memref_slice %arg6[%mul3A_53, %dma_start3A_62] : memref<80x128xi32, #tpu.memory_space<vmem>> -> memref<1x128xi32, #tpu.memory_space<vmem>>
      %dma_start3A_64 = tpu.memref_squeeze %dma_start3A_63 : memref<1x128xi32, #tpu.memory_space<vmem>> -> memref<128xi32, #tpu.memory_space<vmem>>
      %dma_start3A_65 = arith.constant 0 : i32
      %dma_start3A_66 = arith.constant 0 : i32
      %dma_start3A_67 = tpu.memref_slice %arg10[%dma_start3A_65, %dma_start3A_66] : memref<10112x16xf32, #tpu.memory_space<vmem_shared>> -> memref<10112x16xf32, #tpu.memory_space<vmem_shared>>
      tpu.enqueue_indirect_dma source(%arg7 : memref<128x16xf32, #tpu.memory_space<vmem>>) target(%dma_start3A_67 : memref<10112x16xf32, #tpu.memory_space<vmem_shared>>) offsets(%dma_start3A_64 : memref<128xi32, #tpu.memory_space<vmem>>) semaphore(%arg14 : memref<!tpu.dma_semaphore, #tpu.memory_space<semaphore_mem>>) {add = true}
      %dma_wait3A_68 = arith.constant 0 : i32
      %dma_wait3A_69 = tpu.memref_slice %arg5[%add3A_55, %dma_wait3A_68] : memref<80x128xi32, #tpu.memory_space<vmem>> -> memref<1x128xi32, #tpu.memory_space<vmem>>
      %dma_wait3A_70 = tpu.memref_squeeze %dma_wait3A_69 : memref<1x128xi32, #tpu.memory_space<vmem>> -> memref<128xi32, #tpu.memory_space<vmem>>
      %dma_wait3A_71 = arith.constant 0 : i32
      %dma_wait3A_72 = arith.constant 0 : i32
      %dma_wait3A_73 = tpu.memref_slice %arg11[%dma_wait3A_71, %dma_wait3A_72] : memref<10112x16xf32, #tpu.memory_space<vmem_shared>> -> memref<10112x16xf32, #tpu.memory_space<vmem_shared>>
      tpu.wait_indirect_dma semaphore(%arg13 : memref<!tpu.dma_semaphore, #tpu.memory_space<semaphore_mem>>) src(%dma_wait3A_73 : memref<10112x16xf32, #tpu.memory_space<vmem_shared>>) dst(%arg8 : memref<128x16xf32, #tpu.memory_space<vmem>>)
      %dma_start3A_74 = arith.constant 0 : i32
      %dma_start3A_75 = tpu.memref_slice %arg6[%add3A_55, %dma_start3A_74] : memref<80x128xi32, #tpu.memory_space<vmem>> -> memref<1x128xi32, #tpu.memory_space<vmem>>
      %dma_start3A_76 = tpu.memref_squeeze %dma_start3A_75 : memref<1x128xi32, #tpu.memory_space<vmem>> -> memref<128xi32, #tpu.memory_space<vmem>>
      %dma_start3A_77 = arith.constant 0 : i32
      %dma_start3A_78 = arith.constant 0 : i32
      %dma_start3A_79 = tpu.memref_slice %arg10[%dma_start3A_77, %dma_start3A_78] : memref<10112x16xf32, #tpu.memory_space<vmem_shared>> -> memref<10112x16xf32, #tpu.memory_space<vmem_shared>>
      tpu.enqueue_indirect_dma source(%arg8 : memref<128x16xf32, #tpu.memory_space<vmem>>) target(%dma_start3A_79 : memref<10112x16xf32, #tpu.memory_space<vmem_shared>>) offsets(%dma_start3A_76 : memref<128xi32, #tpu.memory_space<vmem>>) semaphore(%arg15 : memref<!tpu.dma_semaphore, #tpu.memory_space<semaphore_mem>>) {add = true}
      %add3A_80 = arith.constant 2 : i32
      %add3A_81 = arith.addi %mul3A_53, %add3A_80 : i32
      %lt3A = arith.constant 80 : i32
      %lt3A_82 = arith.cmpi slt, %add3A_81, %lt3A : i32
      %convert_element_type3A = arith.extui %lt3A_82 : i1 to i32
      %cond3A = arith.constant 0 : i32
      %cond3A_83 = arith.cmpi ne, %convert_element_type3A, %cond3A : i32
      scf.if %cond3A_83 {
        %dma_wait3A_91 = arith.constant 0 : i32
        %dma_wait3A_92 = tpu.memref_slice %arg6[%mul3A_53, %dma_wait3A_91] : memref<80x128xi32, #tpu.memory_space<vmem>> -> memref<1x128xi32, #tpu.memory_space<vmem>>
        %dma_wait3A_93 = tpu.memref_squeeze %dma_wait3A_92 : memref<1x128xi32, #tpu.memory_space<vmem>> -> memref<128xi32, #tpu.memory_space<vmem>>
        %dma_wait3A_94 = arith.constant 0 : i32
        %dma_wait3A_95 = arith.constant 0 : i32
        %dma_wait3A_96 = tpu.memref_slice %arg10[%dma_wait3A_94, %dma_wait3A_95] : memref<10112x16xf32, #tpu.memory_space<vmem_shared>> -> memref<10112x16xf32, #tpu.memory_space<vmem_shared>>
        tpu.wait_indirect_dma semaphore(%arg14 : memref<!tpu.dma_semaphore, #tpu.memory_space<semaphore_mem>>) src(%arg7 : memref<128x16xf32, #tpu.memory_space<vmem>>) dst(%dma_wait3A_96 : memref<10112x16xf32, #tpu.memory_space<vmem_shared>>)
        %add3A_97 = arith.constant 2 : i32
        %add3A_98 = arith.addi %mul3A_53, %add3A_97 : i32
        %dma_start3A_99 = arith.constant 0 : i32
        %dma_start3A_100 = tpu.memref_slice %arg5[%add3A_98, %dma_start3A_99] : memref<80x128xi32, #tpu.memory_space<vmem>> -> memref<1x128xi32, #tpu.memory_space<vmem>>
        %dma_start3A_101 = tpu.memref_squeeze %dma_start3A_100 : memref<1x128xi32, #tpu.memory_space<vmem>> -> memref<128xi32, #tpu.memory_space<vmem>>
        %dma_start3A_102 = arith.constant 0 : i32
        %dma_start3A_103 = arith.constant 0 : i32
        %dma_start3A_104 = tpu.memref_slice %arg11[%dma_start3A_102, %dma_start3A_103] : memref<10112x16xf32, #tpu.memory_space<vmem_shared>> -> memref<10112x16xf32, #tpu.memory_space<vmem_shared>>
        tpu.enqueue_indirect_dma source(%dma_start3A_104 : memref<10112x16xf32, #tpu.memory_space<vmem_shared>>) target(%arg7 : memref<128x16xf32, #tpu.memory_space<vmem>>) offsets(%dma_start3A_101 : memref<128xi32, #tpu.memory_space<vmem>>) semaphore(%arg12 : memref<!tpu.dma_semaphore, #tpu.memory_space<semaphore_mem>>)
      } else {
      }
      %add3A_84 = arith.constant 2 : i32
      %add3A_85 = arith.addi %add3A_55, %add3A_84 : i32
      %lt3A_86 = arith.constant 80 : i32
      %lt3A_87 = arith.cmpi slt, %add3A_85, %lt3A_86 : i32
      %convert_element_type3A_88 = arith.extui %lt3A_87 : i1 to i32
      %cond3A_89 = arith.constant 0 : i32
      %cond3A_90 = arith.cmpi ne, %convert_element_type3A_88, %cond3A_89 : i32
      scf.if %cond3A_90 {
        %dma_wait3A_91 = arith.constant 0 : i32
        %dma_wait3A_92 = tpu.memref_slice %arg6[%add3A_55, %dma_wait3A_91] : memref<80x128xi32, #tpu.memory_space<vmem>> -> memref<1x128xi32, #tpu.memory_space<vmem>>
        %dma_wait3A_93 = tpu.memref_squeeze %dma_wait3A_92 : memref<1x128xi32, #tpu.memory_space<vmem>> -> memref<128xi32, #tpu.memory_space<vmem>>
        %dma_wait3A_94 = arith.constant 0 : i32
        %dma_wait3A_95 = arith.constant 0 : i32
        %dma_wait3A_96 = tpu.memref_slice %arg10[%dma_wait3A_94, %dma_wait3A_95] : memref<10112x16xf32, #tpu.memory_space<vmem_shared>> -> memref<10112x16xf32, #tpu.memory_space<vmem_shared>>
        tpu.wait_indirect_dma semaphore(%arg15 : memref<!tpu.dma_semaphore, #tpu.memory_space<semaphore_mem>>) src(%arg8 : memref<128x16xf32, #tpu.memory_space<vmem>>) dst(%dma_wait3A_96 : memref<10112x16xf32, #tpu.memory_space<vmem_shared>>)
        %add3A_97 = arith.constant 2 : i32
        %add3A_98 = arith.addi %add3A_55, %add3A_97 : i32
        %dma_start3A_99 = arith.constant 0 : i32
        %dma_start3A_100 = tpu.memref_slice %arg5[%add3A_98, %dma_start3A_99] : memref<80x128xi32, #tpu.memory_space<vmem>> -> memref<1x128xi32, #tpu.memory_space<vmem>>
        %dma_start3A_101 = tpu.memref_squeeze %dma_start3A_100 : memref<1x128xi32, #tpu.memory_space<vmem>> -> memref<128xi32, #tpu.memory_space<vmem>>
        %dma_start3A_102 = arith.constant 0 : i32
        %dma_start3A_103 = arith.constant 0 : i32
        %dma_start3A_104 = tpu.memref_slice %arg11[%dma_start3A_102, %dma_start3A_103] : memref<10112x16xf32, #tpu.memory_space<vmem_shared>> -> memref<10112x16xf32, #tpu.memory_space<vmem_shared>>
        tpu.enqueue_indirect_dma source(%dma_start3A_104 : memref<10112x16xf32, #tpu.memory_space<vmem_shared>>) target(%arg8 : memref<128x16xf32, #tpu.memory_space<vmem>>) offsets(%dma_start3A_101 : memref<128xi32, #tpu.memory_space<vmem>>) semaphore(%arg13 : memref<!tpu.dma_semaphore, #tpu.memory_space<semaphore_mem>>)
      } else {
      }
    }
    %scan3A_32 = arith.constant 40 : i32
    %dma_wait3A = arith.constant 0 : i32
    %dma_wait3A_33 = arith.constant 0 : i32
    %dma_wait3A_34 = tpu.memref_slice %arg6[%dma_wait3A, %dma_wait3A_33] : memref<80x128xi32, #tpu.memory_space<vmem>> -> memref<1x128xi32, #tpu.memory_space<vmem>>
    %dma_wait3A_35 = tpu.memref_squeeze %dma_wait3A_34 : memref<1x128xi32, #tpu.memory_space<vmem>> -> memref<128xi32, #tpu.memory_space<vmem>>
    %dma_wait3A_36 = arith.constant 0 : i32
    %dma_wait3A_37 = arith.constant 0 : i32
    %dma_wait3A_38 = tpu.memref_slice %arg10[%dma_wait3A_36, %dma_wait3A_37] : memref<10112x16xf32, #tpu.memory_space<vmem_shared>> -> memref<10112x16xf32, #tpu.memory_space<vmem_shared>>
    tpu.wait_indirect_dma semaphore(%arg14 : memref<!tpu.dma_semaphore, #tpu.memory_space<semaphore_mem>>) src(%arg7 : memref<128x16xf32, #tpu.memory_space<vmem>>) dst(%dma_wait3A_38 : memref<10112x16xf32, #tpu.memory_space<vmem_shared>>)
    %dma_wait3A_39 = arith.constant 1 : i32
    %dma_wait3A_40 = arith.constant 0 : i32
    %dma_wait3A_41 = tpu.memref_slice %arg6[%dma_wait3A_39, %dma_wait3A_40] : memref<80x128xi32, #tpu.memory_space<vmem>> -> memref<1x128xi32, #tpu.memory_space<vmem>>
    %dma_wait3A_42 = tpu.memref_squeeze %dma_wait3A_41 : memref<1x128xi32, #tpu.memory_space<vmem>> -> memref<128xi32, #tpu.memory_space<vmem>>
    %dma_wait3A_43 = arith.constant 0 : i32
    %dma_wait3A_44 = arith.constant 0 : i32
    %dma_wait3A_45 = tpu.memref_slice %arg10[%dma_wait3A_43, %dma_wait3A_44] : memref<10112x16xf32, #tpu.memory_space<vmem_shared>> -> memref<10112x16xf32, #tpu.memory_space<vmem_shared>>
    tpu.wait_indirect_dma semaphore(%arg15 : memref<!tpu.dma_semaphore, #tpu.memory_space<semaphore_mem>>) src(%arg8 : memref<128x16xf32, #tpu.memory_space<vmem>>) dst(%dma_wait3A_45 : memref<10112x16xf32, #tpu.memory_space<vmem_shared>>)
    %barrier3A_46 = arith.constant 0 : index
    tpu.barrier barrier_id(%barrier3A_46)
    %mul3A_47 = arith.constant 632 : i32
    %mul3A_48 = arith.muli %arg1, %mul3A_47 : i32
    "tpu.region"() ({
      %run_scoped3A_51 = tpu.sem_alloc : memref<!tpu.dma_semaphore, #tpu.memory_space<semaphore_mem>>
      %dma_start3A_52 = arith.constant 0 : i32
      %dma_start3A_53 = tpu.memref_slice %arg10[%mul3A_48, %dma_start3A_52] : memref<10112x16xf32, #tpu.memory_space<vmem_shared>> -> memref<632x16xf32, #tpu.memory_space<vmem_shared>>
      %dma_start3A_54 = arith.constant 0 : i32
      %dma_start3A_55 = tpu.memref_slice %arg10[%mul3A_48, %dma_start3A_54] : memref<10112x16xf32, #tpu.memory_space<vmem_shared>> -> memref<632x16xf32, #tpu.memory_space<vmem_shared>>
      tpu.enqueue_dma source(%dma_start3A_55 : memref<632x16xf32, #tpu.memory_space<vmem_shared>>) target(%arg9 : memref<632x16xf32, #tpu.memory_space<vmem>>) target_semaphore(%run_scoped3A_51 : memref<!tpu.dma_semaphore, #tpu.memory_space<semaphore_mem>>)
      %dma_wait3A_56 = arith.constant 0 : i32
      %dma_wait3A_57 = tpu.memref_slice %arg10[%mul3A_48, %dma_wait3A_56] : memref<10112x16xf32, #tpu.memory_space<vmem_shared>> -> memref<632x16xf32, #tpu.memory_space<vmem_shared>>
      %dma_wait3A_58 = arith.constant 0 : i32
      %dma_wait3A_59 = tpu.memref_slice %arg10[%mul3A_48, %dma_wait3A_58] : memref<10112x16xf32, #tpu.memory_space<vmem_shared>> -> memref<632x16xf32, #tpu.memory_space<vmem_shared>>
      tpu.wait_dma2 semaphore(%run_scoped3A_51 : memref<!tpu.dma_semaphore, #tpu.memory_space<semaphore_mem>>) src(%dma_wait3A_59 : memref<632x16xf32, #tpu.memory_space<vmem_shared>>) dst(%arg9 : memref<632x16xf32, #tpu.memory_space<vmem>>)
      tpu.yield
    }) : () -> ()
    %mul3A_49 = arith.constant 632 : i32
    %mul3A_50 = arith.muli %arg1, %mul3A_49 : i32
    "tpu.region"() ({
      %run_scoped3A_51 = tpu.sem_alloc : memref<!tpu.dma_semaphore, #tpu.memory_space<semaphore_mem>>
      %dma_start3A_52 = arith.constant 0 : i32
      %dma_start3A_53 = arith.constant 0 : i32
      %dma_start3A_54 = tpu.memref_slice %arg4[%arg0, %dma_start3A_52, %dma_start3A_53] : memref<2x10112x16xf32, #tpu.memory_space<hbm>> -> memref<1x10112x16xf32, #tpu.memory_space<hbm>>
      %dma_start3A_55 = tpu.memref_squeeze %dma_start3A_54 : memref<1x10112x16xf32, #tpu.memory_space<hbm>> -> memref<10112x16xf32, #tpu.memory_space<hbm>>
      %dma_start3A_56 = arith.constant 0 : i32
      %dma_start3A_57 = tpu.memref_slice %dma_start3A_55[%mul3A_50, %dma_start3A_56] : memref<10112x16xf32, #tpu.memory_space<hbm>> -> memref<632x16xf32, #tpu.memory_space<hbm>>
      %dma_start3A_58 = arith.constant 0 : i32
      %dma_start3A_59 = arith.constant 0 : i32
      %dma_start3A_60 = tpu.memref_slice %arg4[%arg0, %dma_start3A_58, %dma_start3A_59] : memref<2x10112x16xf32, #tpu.memory_space<hbm>> -> memref<1x10112x16xf32, #tpu.memory_space<hbm>>
      %dma_start3A_61 = tpu.memref_squeeze %dma_start3A_60 : memref<1x10112x16xf32, #tpu.memory_space<hbm>> -> memref<10112x16xf32, #tpu.memory_space<hbm>>
      %dma_start3A_62 = arith.constant 0 : i32
      %dma_start3A_63 = tpu.memref_slice %dma_start3A_61[%mul3A_50, %dma_start3A_62] : memref<10112x16xf32, #tpu.memory_space<hbm>> -> memref<632x16xf32, #tpu.memory_space<hbm>>
      tpu.enqueue_dma source(%arg9 : memref<632x16xf32, #tpu.memory_space<vmem>>) target(%dma_start3A_63 : memref<632x16xf32, #tpu.memory_space<hbm>>) target_semaphore(%run_scoped3A_51 : memref<!tpu.dma_semaphore, #tpu.memory_space<semaphore_mem>>)
      %dma_wait3A_64 = arith.constant 0 : i32
      %dma_wait3A_65 = arith.constant 0 : i32
      %dma_wait3A_66 = tpu.memref_slice %arg4[%arg0, %dma_wait3A_64, %dma_wait3A_65] : memref<2x10112x16xf32, #tpu.memory_space<hbm>> -> memref<1x10112x16xf32, #tpu.memory_space<hbm>>
      %dma_wait3A_67 = tpu.memref_squeeze %dma_wait3A_66 : memref<1x10112x16xf32, #tpu.memory_space<hbm>> -> memref<10112x16xf32, #tpu.memory_space<hbm>>
      %dma_wait3A_68 = arith.constant 0 : i32
      %dma_wait3A_69 = tpu.memref_slice %dma_wait3A_67[%mul3A_50, %dma_wait3A_68] : memref<10112x16xf32, #tpu.memory_space<hbm>> -> memref<632x16xf32, #tpu.memory_space<hbm>>
      %dma_wait3A_70 = arith.constant 0 : i32
      %dma_wait3A_71 = arith.constant 0 : i32
      %dma_wait3A_72 = tpu.memref_slice %arg4[%arg0, %dma_wait3A_70, %dma_wait3A_71] : memref<2x10112x16xf32, #tpu.memory_space<hbm>> -> memref<1x10112x16xf32, #tpu.memory_space<hbm>>
      %dma_wait3A_73 = tpu.memref_squeeze %dma_wait3A_72 : memref<1x10112x16xf32, #tpu.memory_space<hbm>> -> memref<10112x16xf32, #tpu.memory_space<hbm>>
      %dma_wait3A_74 = arith.constant 0 : i32
      %dma_wait3A_75 = tpu.memref_slice %dma_wait3A_73[%mul3A_50, %dma_wait3A_74] : memref<10112x16xf32, #tpu.memory_space<hbm>> -> memref<632x16xf32, #tpu.memory_space<hbm>>
      tpu.wait_dma2 semaphore(%run_scoped3A_51 : memref<!tpu.dma_semaphore, #tpu.memory_space<semaphore_mem>>) src(%arg9 : memref<632x16xf32, #tpu.memory_space<vmem>>) dst(%dma_wait3A_75 : memref<632x16xf32, #tpu.memory_space<hbm>>)
      tpu.yield
    }) : () -> ()
    return
  }
}

module attributes {stable_mosaic.version = 14 : i64} {
  func.func @_tc1a_body(%arg0: i32, %arg1: memref<632x1024xf32, #tpu.memory_space<vmem>>, %arg2: memref<1024x128xf32, #tpu.memory_space<vmem>>, %arg3: memref<632x128xf32, #tpu.memory_space<vmem>>) attributes {dimension_semantics = [#tpu.dimension_semantics<arbitrary>], iteration_bounds = array<i64: 2>, scalar_prefetch = 0 : i64, scratch_operands = 0 : i64, tpu.core_type = #tpu.core_type<tc>, window_params = [{transform_indices = @transform_0, window_bounds = array<i64: 632, 1024>}, {pipeline_mode = #tpu.pipeline_mode<synchronous>, transform_indices = @transform_1, window_bounds = array<i64: 1024, 128>}, {transform_indices = @transform_2, window_bounds = array<i64: 632, 128>}]} {
    %get3A = arith.constant 0 : index
    %get3A_0 = arith.constant 0 : index
    %get3A_1 = vector.load %arg1[%get3A, %get3A_0] : memref<632x1024xf32, #tpu.memory_space<vmem>>, vector<632x1024xf32>
    %get3A_2 = arith.constant 0 : index
    %get3A_3 = arith.constant 0 : index
    %get3A_4 = vector.load %arg2[%get3A_2, %get3A_3] : memref<1024x128xf32, #tpu.memory_space<vmem>>, vector<1024x128xf32>
    %dot_general3A = arith.constant dense<0.000000e+00> : vector<632x128xf32>
    %dot_general3A_5 = tpu.matmul %get3A_1, %get3A_4, %dot_general3A {dimension_numbers = #tpu.dot_dimension_numbers<[1], [0], [0], [1], [0, 0, 1, 1], [], []>, transpose_lhs_hint = false} : vector<632x1024xf32>, vector<1024x128xf32>, vector<632x128xf32> -> vector<632x128xf32>
    %swap3A = arith.constant 0 : index
    %swap3A_6 = arith.constant 0 : index
    %swap3A_7 = vector.load %arg3[%swap3A, %swap3A_6] : memref<632x128xf32, #tpu.memory_space<vmem>>, vector<632x128xf32>
    tpu.vector_store %arg3[%swap3A, %swap3A_6], %dot_general3A_5 {strides = array<i32>} : memref<632x128xf32, #tpu.memory_space<vmem>>, vector<632x128xf32>,
    return
  }
  func.func @transform_0(%arg0: i32) -> (i32, i32) {
    %c0_i32 = arith.constant 0 : i32
    %c0_i32_0 = arith.constant 0 : i32
    return %arg0, %c0_i32 : i32, i32
  }
  func.func @transform_1(%arg0: i32) -> (i32, i32) {
    %c0_i32 = arith.constant 0 : i32
    %c0_i32_0 = arith.constant 0 : i32
    %c0_i32_1 = arith.constant 0 : i32
    return %c0_i32, %c0_i32_0 : i32, i32
  }
  func.func @transform_2(%arg0: i32) -> (i32, i32) {
    %c0_i32 = arith.constant 0 : i32
    %c0_i32_0 = arith.constant 0 : i32
    return %arg0, %c0_i32 : i32, i32
  }
}

module attributes {stable_mosaic.version = 14 : i64} {
  func.func @_tc1b_body(%arg0: i32, %arg1: memref<632x128xf32, #tpu.memory_space<vmem>>, %arg2: memref<2x632x128xf32, #tpu.memory_space<vmem>>, %arg3: memref<632x128xf32, #tpu.memory_space<vmem>>) attributes {dimension_semantics = [#tpu.dimension_semantics<arbitrary>], iteration_bounds = array<i64: 2>, scalar_prefetch = 0 : i64, scratch_operands = 0 : i64, tpu.core_type = #tpu.core_type<tc>, window_params = [{transform_indices = @transform_0, window_bounds = array<i64: 632, 128>}, {transform_indices = @transform_1, window_bounds = array<i64: 2, 632, 128>}, {transform_indices = @transform_2, window_bounds = array<i64: 632, 128>}]} {
    %get3A = arith.constant 0 : index
    %get3A_0 = arith.constant 0 : index
    %get3A_1 = arith.constant 0 : index
    %get3A_2 = vector.load %arg2[%get3A, %get3A_0, %get3A_1] : memref<2x632x128xf32, #tpu.memory_space<vmem>>, vector<1x632x128xf32>
    %get3A_3 = vector.shape_cast %get3A_2 : vector<1x632x128xf32> to vector<632x128xf32>
    %get3A_4 = arith.constant 1 : index
    %get3A_5 = arith.constant 0 : index
    %get3A_6 = arith.constant 0 : index
    %get3A_7 = vector.load %arg2[%get3A_4, %get3A_5, %get3A_6] : memref<2x632x128xf32, #tpu.memory_space<vmem>>, vector<1x632x128xf32>
    %get3A_8 = vector.shape_cast %get3A_7 : vector<1x632x128xf32> to vector<632x128xf32>
    %add3A = arith.addf %get3A_3, %get3A_8 : vector<632x128xf32>
    %add3A_9 = arith.constant 1.000000e+00 : f32
    %add3A_10 = vector.broadcast %add3A_9 : f32 to vector<632x128xf32>
    %add3A_11 = arith.addf %add3A, %add3A_10 : vector<632x128xf32>
    %rsqrt3A = math.rsqrt %add3A_11 : vector<632x128xf32>
    %get3A_12 = arith.constant 0 : index
    %get3A_13 = arith.constant 0 : index
    %get3A_14 = vector.load %arg1[%get3A_12, %get3A_13] : memref<632x128xf32, #tpu.memory_space<vmem>>, vector<632x128xf32>
    %mul3A = arith.mulf %rsqrt3A, %get3A_14 : vector<632x128xf32>
    %swap3A = arith.constant 0 : index
    %swap3A_15 = arith.constant 0 : index
    %swap3A_16 = vector.load %arg3[%swap3A, %swap3A_15] : memref<632x128xf32, #tpu.memory_space<vmem>>, vector<632x128xf32>
    tpu.vector_store %arg3[%swap3A, %swap3A_15], %mul3A {strides = array<i32>} : memref<632x128xf32, #tpu.memory_space<vmem>>, vector<632x128xf32>,
    return
  }
  func.func @transform_0(%arg0: i32) -> (i32, i32) {
    %c0_i32 = arith.constant 0 : i32
    %c0_i32_0 = arith.constant 0 : i32
    return %arg0, %c0_i32 : i32, i32
  }
  func.func @transform_1(%arg0: i32) -> (i32, i32, i32) {
    %c0_i32 = arith.constant 0 : i32
    %c0_i32_0 = arith.constant 0 : i32
    %c0_i32_1 = arith.constant 0 : i32
    return %c0_i32, %arg0, %c0_i32_0 : i32, i32, i32
  }
  func.func @transform_2(%arg0: i32) -> (i32, i32) {
    %c0_i32 = arith.constant 0 : i32
    %c0_i32_0 = arith.constant 0 : i32
    return %arg0, %c0_i32 : i32, i32
  }
}

module attributes {stable_mosaic.version = 14 : i64} {
  func.func @_tc2_body(%arg0: i32, %arg1: memref<2x632x128xf32, #tpu.memory_space<vmem>>, %arg2: memref<632x128xf32, #tpu.memory_space<vmem>>, %arg3: memref<2x632x128xf32, #tpu.memory_space<vmem>>, %arg4: memref<1x128xf32, #tpu.memory_space<vmem>>, %arg5: memref<632x128xf32, #tpu.memory_space<vmem>>) attributes {dimension_semantics = [#tpu.dimension_semantics<arbitrary>], iteration_bounds = array<i64: 2>, scalar_prefetch = 0 : i64, scratch_operands = 0 : i64, tpu.core_type = #tpu.core_type<tc>, window_params = [{transform_indices = @transform_0, window_bounds = array<i64: 2, 632, 128>}, {transform_indices = @transform_1, window_bounds = array<i64: 632, 128>}, {transform_indices = @transform_2, window_bounds = array<i64: 2, 632, 128>}, {pipeline_mode = #tpu.pipeline_mode<synchronous>, transform_indices = @transform_3, window_bounds = array<i64: 1, 128>}, {transform_indices = @transform_4, window_bounds = array<i64: 632, 128>}]} {
    %get3A = arith.constant 0 : index
    %get3A_0 = arith.constant 0 : index
    %get3A_1 = arith.constant 0 : index
    %get3A_2 = vector.load %arg3[%get3A, %get3A_0, %get3A_1] : memref<2x632x128xf32, #tpu.memory_space<vmem>>, vector<1x632x128xf32>
    %get3A_3 = vector.shape_cast %get3A_2 : vector<1x632x128xf32> to vector<632x128xf32>
    %get3A_4 = arith.constant 1 : index
    %get3A_5 = arith.constant 0 : index
    %get3A_6 = arith.constant 0 : index
    %get3A_7 = vector.load %arg3[%get3A_4, %get3A_5, %get3A_6] : memref<2x632x128xf32, #tpu.memory_space<vmem>>, vector<1x632x128xf32>
    %get3A_8 = vector.shape_cast %get3A_7 : vector<1x632x128xf32> to vector<632x128xf32>
    %add3A = arith.addf %get3A_3, %get3A_8 : vector<632x128xf32>
    %add3A_9 = arith.constant 1.000000e+00 : f32
    %add3A_10 = vector.broadcast %add3A_9 : f32 to vector<632x128xf32>
    %add3A_11 = arith.addf %add3A, %add3A_10 : vector<632x128xf32>
    %rsqrt3A = math.rsqrt %add3A_11 : vector<632x128xf32>
    %get3A_12 = arith.constant 0 : index
    %get3A_13 = arith.constant 0 : index
    %get3A_14 = arith.constant 0 : index
    %get3A_15 = vector.load %arg1[%get3A_12, %get3A_13, %get3A_14] : memref<2x632x128xf32, #tpu.memory_space<vmem>>, vector<1x632x128xf32>
    %get3A_16 = vector.shape_cast %get3A_15 : vector<1x632x128xf32> to vector<632x128xf32>
    %get3A_17 = arith.constant 1 : index
    %get3A_18 = arith.constant 0 : index
    %get3A_19 = arith.constant 0 : index
    %get3A_20 = vector.load %arg1[%get3A_17, %get3A_18, %get3A_19] : memref<2x632x128xf32, #tpu.memory_space<vmem>>, vector<1x632x128xf32>
    %get3A_21 = vector.shape_cast %get3A_20 : vector<1x632x128xf32> to vector<632x128xf32>
    %add3A_22 = arith.addf %get3A_16, %get3A_21 : vector<632x128xf32>
    %get3A_23 = arith.constant 0 : index
    %get3A_24 = arith.constant 0 : index
    %get3A_25 = vector.load %arg2[%get3A_23, %get3A_24] : memref<632x128xf32, #tpu.memory_space<vmem>>, vector<632x128xf32>
    %add3A_26 = arith.addf %add3A_22, %get3A_25 : vector<632x128xf32>
    %mul3A = arith.mulf %rsqrt3A, %add3A_26 : vector<632x128xf32>
    %get3A_27 = arith.constant 0 : index
    %get3A_28 = arith.constant 0 : index
    %get3A_29 = vector.load %arg4[%get3A_27, %get3A_28] : memref<1x128xf32, #tpu.memory_space<vmem>>, vector<1x128xf32>
    %add3A_30 = vector.broadcast %get3A_29 : vector<1x128xf32> to vector<632x128xf32>
    %add3A_31 = arith.addf %mul3A, %add3A_30 : vector<632x128xf32>
    %max3A = arith.constant 0.000000e+00 : f32
    %max3A_32 = vector.broadcast %max3A : f32 to vector<632x128xf32>
    %max3A_33 = arith.maximumf %add3A_31, %max3A_32 : vector<632x128xf32>
    %mul3A_34 = arith.mulf %rsqrt3A, %max3A_33 : vector<632x128xf32>
    %swap3A = arith.constant 0 : index
    %swap3A_35 = arith.constant 0 : index
    %swap3A_36 = vector.load %arg5[%swap3A, %swap3A_35] : memref<632x128xf32, #tpu.memory_space<vmem>>, vector<632x128xf32>
    tpu.vector_store %arg5[%swap3A, %swap3A_35], %mul3A_34 {strides = array<i32>} : memref<632x128xf32, #tpu.memory_space<vmem>>, vector<632x128xf32>,
    return
  }
  func.func @transform_0(%arg0: i32) -> (i32, i32, i32) {
    %c0_i32 = arith.constant 0 : i32
    %c0_i32_0 = arith.constant 0 : i32
    %c0_i32_1 = arith.constant 0 : i32
    return %c0_i32, %arg0, %c0_i32_0 : i32, i32, i32
  }
  func.func @transform_1(%arg0: i32) -> (i32, i32) {
    %c0_i32 = arith.constant 0 : i32
    %c0_i32_0 = arith.constant 0 : i32
    return %arg0, %c0_i32 : i32, i32
  }
  func.func @transform_2(%arg0: i32) -> (i32, i32, i32) {
    %c0_i32 = arith.constant 0 : i32
    %c0_i32_0 = arith.constant 0 : i32
    %c0_i32_1 = arith.constant 0 : i32
    return %c0_i32, %arg0, %c0_i32_0 : i32, i32, i32
  }
  func.func @transform_3(%arg0: i32) -> (i32, i32) {
    %c0_i32 = arith.constant 0 : i32
    %c0_i32_0 = arith.constant 0 : i32
    %c0_i32_1 = arith.constant 0 : i32
    return %c0_i32, %c0_i32_0 : i32, i32
  }
  func.func @transform_4(%arg0: i32) -> (i32, i32) {
    %c0_i32 = arith.constant 0 : i32
    %c0_i32_0 = arith.constant 0 : i32
    return %arg0, %c0_i32 : i32, i32
  }
}

module attributes {stable_mosaic.version = 14 : i64} {
  func.func @_tc3_body(%arg0: i32, %arg1: memref<2x632x128xf32, #tpu.memory_space<vmem>>, %arg2: memref<632x128xf32, #tpu.memory_space<vmem>>, %arg3: memref<2x632x128xf32, #tpu.memory_space<vmem>>, %arg4: memref<128x384xf32, #tpu.memory_space<vmem>>, %arg5: memref<1x384xf32, #tpu.memory_space<vmem>>, %arg6: memref<632x384xf32, #tpu.memory_space<vmem>>) attributes {dimension_semantics = [#tpu.dimension_semantics<arbitrary>], iteration_bounds = array<i64: 2>, scalar_prefetch = 0 : i64, scratch_operands = 0 : i64, tpu.core_type = #tpu.core_type<tc>, window_params = [{transform_indices = @transform_0, window_bounds = array<i64: 2, 632, 128>}, {transform_indices = @transform_1, window_bounds = array<i64: 632, 128>}, {transform_indices = @transform_2, window_bounds = array<i64: 2, 632, 128>}, {pipeline_mode = #tpu.pipeline_mode<synchronous>, transform_indices = @transform_3, window_bounds = array<i64: 128, 384>}, {pipeline_mode = #tpu.pipeline_mode<synchronous>, transform_indices = @transform_4, window_bounds = array<i64: 1, 384>}, {transform_indices = @transform_5, window_bounds = array<i64: 632, 384>}]} {
    %get3A = arith.constant 0 : index
    %get3A_0 = arith.constant 0 : index
    %get3A_1 = arith.constant 0 : index
    %get3A_2 = vector.load %arg3[%get3A, %get3A_0, %get3A_1] : memref<2x632x128xf32, #tpu.memory_space<vmem>>, vector<1x632x128xf32>
    %get3A_3 = vector.shape_cast %get3A_2 : vector<1x632x128xf32> to vector<632x128xf32>
    %get3A_4 = arith.constant 1 : index
    %get3A_5 = arith.constant 0 : index
    %get3A_6 = arith.constant 0 : index
    %get3A_7 = vector.load %arg3[%get3A_4, %get3A_5, %get3A_6] : memref<2x632x128xf32, #tpu.memory_space<vmem>>, vector<1x632x128xf32>
    %get3A_8 = vector.shape_cast %get3A_7 : vector<1x632x128xf32> to vector<632x128xf32>
    %add3A = arith.addf %get3A_3, %get3A_8 : vector<632x128xf32>
    %add3A_9 = arith.constant 1.000000e+00 : f32
    %add3A_10 = vector.broadcast %add3A_9 : f32 to vector<632x128xf32>
    %add3A_11 = arith.addf %add3A, %add3A_10 : vector<632x128xf32>
    %rsqrt3A = math.rsqrt %add3A_11 : vector<632x128xf32>
    %get3A_12 = arith.constant 0 : index
    %get3A_13 = arith.constant 0 : index
    %get3A_14 = arith.constant 0 : index
    %get3A_15 = vector.load %arg1[%get3A_12, %get3A_13, %get3A_14] : memref<2x632x128xf32, #tpu.memory_space<vmem>>, vector<1x632x128xf32>
    %get3A_16 = vector.shape_cast %get3A_15 : vector<1x632x128xf32> to vector<632x128xf32>
    %get3A_17 = arith.constant 1 : index
    %get3A_18 = arith.constant 0 : index
    %get3A_19 = arith.constant 0 : index
    %get3A_20 = vector.load %arg1[%get3A_17, %get3A_18, %get3A_19] : memref<2x632x128xf32, #tpu.memory_space<vmem>>, vector<1x632x128xf32>
    %get3A_21 = vector.shape_cast %get3A_20 : vector<1x632x128xf32> to vector<632x128xf32>
    %add3A_22 = arith.addf %get3A_16, %get3A_21 : vector<632x128xf32>
    %get3A_23 = arith.constant 0 : index
    %get3A_24 = arith.constant 0 : index
    %get3A_25 = vector.load %arg2[%get3A_23, %get3A_24] : memref<632x128xf32, #tpu.memory_space<vmem>>, vector<632x128xf32>
    %add3A_26 = arith.addf %add3A_22, %get3A_25 : vector<632x128xf32>
    %mul3A = arith.mulf %rsqrt3A, %add3A_26 : vector<632x128xf32>
    %get3A_27 = arith.constant 0 : index
    %get3A_28 = arith.constant 0 : index
    %get3A_29 = vector.load %arg4[%get3A_27, %get3A_28] : memref<128x384xf32, #tpu.memory_space<vmem>>, vector<128x384xf32>
    %dot_general3A = arith.constant dense<0.000000e+00> : vector<632x384xf32>
    %dot_general3A_30 = tpu.matmul %mul3A, %get3A_29, %dot_general3A {dimension_numbers = #tpu.dot_dimension_numbers<[1], [0], [0], [1], [0, 0, 1, 1], [], []>, transpose_lhs_hint = false} : vector<632x128xf32>, vector<128x384xf32>, vector<632x384xf32> -> vector<632x384xf32>
    %get3A_31 = arith.constant 0 : index
    %get3A_32 = arith.constant 0 : index
    %get3A_33 = vector.load %arg5[%get3A_31, %get3A_32] : memref<1x384xf32, #tpu.memory_space<vmem>>, vector<1x384xf32>
    %add3A_34 = vector.broadcast %get3A_33 : vector<1x384xf32> to vector<632x384xf32>
    %add3A_35 = arith.addf %dot_general3A_30, %add3A_34 : vector<632x384xf32>
    %swap3A = arith.constant 0 : index
    %swap3A_36 = arith.constant 0 : index
    %swap3A_37 = vector.load %arg6[%swap3A, %swap3A_36] : memref<632x384xf32, #tpu.memory_space<vmem>>, vector<632x384xf32>
    tpu.vector_store %arg6[%swap3A, %swap3A_36], %add3A_35 {strides = array<i32>} : memref<632x384xf32, #tpu.memory_space<vmem>>, vector<632x384xf32>,
    return
  }
  func.func @transform_0(%arg0: i32) -> (i32, i32, i32) {
    %c0_i32 = arith.constant 0 : i32
    %c0_i32_0 = arith.constant 0 : i32
    %c0_i32_1 = arith.constant 0 : i32
    return %c0_i32, %arg0, %c0_i32_0 : i32, i32, i32
  }
  func.func @transform_1(%arg0: i32) -> (i32, i32) {
    %c0_i32 = arith.constant 0 : i32
    %c0_i32_0 = arith.constant 0 : i32
    return %arg0, %c0_i32 : i32, i32
  }
  func.func @transform_2(%arg0: i32) -> (i32, i32, i32) {
    %c0_i32 = arith.constant 0 : i32
    %c0_i32_0 = arith.constant 0 : i32
    %c0_i32_1 = arith.constant 0 : i32
    return %c0_i32, %arg0, %c0_i32_0 : i32, i32, i32
  }
  func.func @transform_3(%arg0: i32) -> (i32, i32) {
    %c0_i32 = arith.constant 0 : i32
    %c0_i32_0 = arith.constant 0 : i32
    %c0_i32_1 = arith.constant 0 : i32
    return %c0_i32, %c0_i32_0 : i32, i32
  }
  func.func @transform_4(%arg0: i32) -> (i32, i32) {
    %c0_i32 = arith.constant 0 : i32
    %c0_i32_0 = arith.constant 0 : i32
    %c0_i32_1 = arith.constant 0 : i32
    return %c0_i32, %c0_i32_0 : i32, i32
  }
  func.func @transform_5(%arg0: i32) -> (i32, i32) {
    %c0_i32 = arith.constant 0 : i32
    %c0_i32_0 = arith.constant 0 : i32
    return %arg0, %c0_i32 : i32, i32
  }
}

</mosaic_0001>

<sc_bundles>
// kernel: kernel.12.cloned.1.call-start
scs
__scs_entry_jumppad:
0x0: {  	(pc) =	sbr.rel $0x88, $3  }
0x1: {  	(tag) =	ssettag $0x0;
	lr =	simm.s32 $0x1  }
0x2: {  	[smem:$0x3F9B] =	sst lr;
	_ =	strace $0xD0000000  }
0x3: {  	_ = 	snop  }
0x4: {  	_ = 	snop  }
0x5: {  	_ = 	snop  }
0x6: {  	_ = 	snop  }
0x7: {  	_ = 	snop  }
__scs_overlays_trampoline_lowered:
0x8: {  	[smem:$0x3FAA] =	sst s0  }
0x9: {  	[smem:$0x3FAB] =	sst s1  }
0xa: {  	[smem:$0x3FAC] =	sst s2  }
0xb: {  	[smem:$0x3FAD] =	sst s3  }
0xc: {  	[smem:$0x3FAE] =	sst s4  }
0xd: {  	[smem:$0x3FAF] =	sst s5  }
0xe: {  	[smem:$0x3FB0] =	sst s6  }
0xf: {  	[smem:$0x3FB1] =	sst s7  }
0x10: {  	[smem:$0x3FB2] =	sst s8  }
0x11: {  	[smem:$0x3FB3] =	sst s9;
	s0 =	simm.s32 @!p0 $0x0  }
0x12: {  	s1 =	sld [smem:$0x3F99];
	s0 =	simm.s32 @p0 $0x1  }
0x13: {  	[smem:$0x3FB4] =	sst s0;
	s0 =	simm.s32 @!p1 $0x0  }
0x14: {  	s2 =	sld [smem:$0x3F98];
	s0 =	simm.s32 @p1 $0x1  }
0x15: {  	[smem:$0x3FB5] =	sst s0;
	s0 =	simm.s32 @!p2 $0x0  }
0x16: {  	s3 =	sld [smem:$0x3FDB];
	s0 =	simm.s32 @p2 $0x1  }
0x17: {  	s4 =	simm.s32 $0x1BF5;
	[smem:$0x3FB7] =	sst s0  }
0x18: {  	s0 =	sld [smem:$0x3F9A];
	_ =	swait.ge [sflag:s4], $0x0  }
0x19: {  	s7 =	sld [smem:$0x3F9B]  }
0x1a: {  	s8 =	sadd.s32 $0xFFFFE003, lr  }
0x1b: {  	s9 =	sadd.s32 $0xFFFFFEF7, lr;
	s5 =	simm.s32 $0xFFFFFFFF;
	p2 =	slt.u32 s8, $0xFFFFF086  }
0x1c: {  	p1 =	slt.u32 s9, $0xF7A;
	s5 =	simm.s32 @!p2 $0x0  }
0x1d: {  	s5 =	simm.s32 @p1 $0x1;
	p0 =	seq.s32 s7, s2  }
0x1e: {  	s7 =	smul.u32 @!p0 $0xF7A, s2;
	p2 =	seq.s32 @!p0 s5, $0x0  }
0x1f: {  	s9 =	smul.u32 $0xF7A, s1;
	s8 =	simm.s32 @!p0 $0x1BF5;
	p2 =	por !p2, p0  }
0x20: {  	[sflag:s8] =	ssyncset.s32 @!p0 $0xFFFFF086;
	s6 =	sadd.s32 @!p0 s3, s7;
	s7 =	simm.s32 @!p0 $0x108  }
0x21: {  	s3 =	sadd.s32 s3, s9;
	s6 =	sadd.s32 @!p0 $0x88, s6;
	s7 =	simm.s32 @p2 $0x1082  }
0x22: {  	[simem:s7], [sflag:s8] =	dma.local @!p0 [hbm:s6], $0xF7A  }
0x23: {  	s9 =	sor.u32 $0xD0000000, s2;
	s6 =	simm.s32 $0x108;
	_ =	swait.ge @!p0 [sflag:s8], $0x0  }
0x24: {  	s3 =	sadd.s32 $0x88, s3;
	s6 =	simm.s32 @!p1 $0x1082;
	[sflag:s4] =	ssyncset.s32 $0xFFFFF086  }
0x25: {  	[simem:s6], [sflag:s4] =	dma.local [hbm:s3], $0xF7A  }
0x26: {  	[smem:$0x3F9B] =	sst s1;
	(tag) =	ssettag s2;
	_ =	strace s9  }
0x27: {  	s1 =	sld [smem:$0x3FAB]  }
0x28: {  	s2 =	sld [smem:$0x3FAC]  }
0x29: {  	s4 =	sld [smem:$0x3FAE]  }
0x2a: {  	p0 =	seq.s32 s5, $0x0;
	s5 =	sld [smem:$0x3FAF]  }
0x2b: {  	s6 =	sld [smem:$0x3FB0]  }
0x2c: {  	s7 =	sld [smem:$0x3FB1]  }
0x2d: {  	s3 =	simm.s32 $0x108;
	s8 =	sld [smem:$0x3FB2]  }
0x2e: {  	s3 =	simm.s32 @!p0 $0x1082;
	s9 =	sld [smem:$0x3FB3]  }
0x2f: {  	lr =	sadd.s32 s0, s3;
	s0 =	sld [smem:$0x3FAA]  }
0x30: {  	s3 =	sld [smem:$0x3FAD]  }
0x31: {  	[smem:$0x3FB6] =	sst s10  }
0x32: {  	s10 =	sld [smem:$0x3FB4];
	_ =	sdelay $0x3  }
0x33: {  	p0 =	seq.s32 s10, $0x1;
	s10 =	sld [smem:$0x3FB6];
	_ =	sdelay $0x3  }
0x34: {  	[smem:$0x3FB6] =	sst s10  }
0x35: {  	s10 =	sld [smem:$0x3FB5];
	_ =	sdelay $0x3  }
0x36: {  	p1 =	seq.s32 s10, $0x1;
	s10 =	sld [smem:$0x3FB6];
	_ =	sdelay $0x3  }
0x37: {  	[smem:$0x3FB6] =	sst s10  }
0x38: {  	s10 =	sld [smem:$0x3FB7]  }
0x39: {  	_ = 	snop;
	(pc) =	sbr.ind lr, $3  }
0x3a: {  	_ = 	snop  }
0x3b: {  	_ = 	snop  }
0x3c: {  	p2 =	seq.s32 s10, $0x1;
	s10 =	sld [smem:$0x3FB6]  }
0x3d: {  	_ =	shalt  }
0x3e: {  	_ =	shalt  }
0x3f: {  	_ =	shalt  }
0x40: {  	_ =	shalt  }
0x41: {  	_ =	shalt  }
0x42: {  	_ =	shalt  }
0x43: {  	_ =	shalt  }
0x44: {  	_ =	shalt  }
0x45: {  	_ =	shalt  }
0x46: {  	_ =	shalt  }
0x47: {  	_ =	shalt  }
0x48: {  	_ =	shalt  }
0x49: {  	_ =	shalt  }
0x4a: {  	_ =	shalt  }
0x4b: {  	_ =	shalt  }
0x4c: {  	_ =	shalt  }
0x4d: {  	_ =	shalt  }
0x4e: {  	_ =	shalt  }
0x4f: {  	_ =	shalt  }
0x50: {  	_ =	shalt  }
0x51: {  	_ =	shalt  }
0x52: {  	_ =	shalt  }
0x53: {  	_ =	shalt  }
0x54: {  	_ =	shalt  }
0x55: {  	_ =	shalt  }
0x56: {  	_ =	shalt  }
0x57: {  	_ =	shalt  }
0x58: {  	_ =	shalt  }
0x59: {  	_ =	shalt  }
0x5a: {  	_ =	shalt  }
0x5b: {  	_ =	shalt  }
0x5c: {  	_ =	shalt  }
0x5d: {  	_ =	shalt  }
0x5e: {  	_ =	shalt  }
0x5f: {  	_ =	shalt  }
0x60: {  	_ =	shalt  }
0x61: {  	_ =	shalt  }
0x62: {  	_ =	shalt  }
0x63: {  	_ =	shalt  }
0x64: {  	_ =	shalt  }
0x65: {  	_ =	shalt  }
0x66: {  	_ =	shalt  }
0x67: {  	_ =	shalt  }
0x68: {  	_ =	shalt  }
0x69: {  	_ =	shalt  }
0x6a: {  	_ =	shalt  }
0x6b: {  	_ =	shalt  }
0x6c: {  	_ =	shalt  }
0x6d: {  	_ =	shalt  }
0x6e: {  	_ =	shalt  }
0x6f: {  	_ =	shalt  }
0x70: {  	_ =	shalt  }
0x71: {  	_ =	shalt  }
0x72: {  	_ =	shalt  }
0x73: {  	_ =	shalt  }
0x74: {  	_ =	shalt  }
0x75: {  	_ =	shalt  }
0x76: {  	_ =	shalt  }
0x77: {  	_ =	shalt  }
0x78: {  	_ =	shalt  }
0x79: {  	_ =	shalt  }
0x7a: {  	_ =	shalt  }
0x7b: {  	_ =	shalt  }
0x7c: {  	_ =	shalt  }
0x7d: {  	_ =	shalt  }
0x7e: {  	_ =	shalt  }
0x7f: {  	_ =	shalt  }
0x80: {  	_ =	shalt  }
0x81: {  	_ =	shalt  }
0x82: {  	_ =	shalt  }
0x83: {  	_ =	shalt  }
0x84: {  	_ =	shalt  }
0x85: {  	_ =	shalt  }
0x86: {  	_ =	shalt  }
0x87: {  	_ =	shalt  }
.Lfunc_end0:
.L_simem_size_0:
called_computation.1_lowered:
.L_overlay_start_0:
0x88: {  	s2 =	sld [smem:$0x3FD9]  }
0x89: {  	s3 =	sld [smem:$0x3FFE];
	_ =	sdelay $0x1  }
0x8a: {  	s1 =	srdreg.scid  }
0x8b: {  	s0 =	sand.u32 $0x1, s1  }
0x8c: {  	s17 =	sshll.u32 s0, $0xA;
	s2 =	sadd.s32 s3, s2  }
0x8d: {  	s2 =	sadd.s32 s2, s17  }
0x8e: {  	[smem:$0x3FC2] =	sst s2  }
0x8f: {  	_ = 	snop  }
0x90: {  	s2 =	sld [smem:$0x3FD0];
	(tm) =	ssettm $0x1  }
0x91: {  	s18 =	sld [smem:$0x3FFB];
	_ =	sdelay $0x3  }
0x92: {  	_ =	strace s18  }
0x93: {  	s3 =	sld [smem:$0x3FFC];
	_ =	sdelay $0x3  }
0x94: {  	_ =	strace s3  }
0x95: {  	s3 =	sld [smem:$0x3FFD];
	_ =	sdelay $0x3  }
0x96: {  	_ =	strace s3  }
0x97: {  	_ =	strace $0x8FFFFFFF  }
0x98: {  	s19 =	sld [smem:$0x3FDB];
	_ =	sdelay $0x1  }
0x99: {  	s4 =	simm.s32 $_scs_section_size  }
0x9a: {  	s5 =	simm.s32 $_size__tile_overlayer_lowered;
	s6 =	simm.s32 $_tile_overlayer_lowered  }
0x9b: {  	s22 =	simm.s32 $0x1BFF;
	s21 =	sshll.u32 s6, $0x1;
	s3 =	sadd.s32 s4, s19  }
0x9c: {  	s7 =	simm.s32 $0x0;
	s20 =	sshll.u32 s5, $0x1;
	s5 =	sadd.s32 s21, s3  }
0x9d: {  	[timem:s7], [sflag:s22] =	dma.local [hbm:s5], s20  }
0x9e: {  	_ =	swait.ge [sflag:s22], s20  }
0x9f: {  	s4 =	ssub.s32 $0x0, s20;
	[sflag:s22] =	ssyncset.done $0x0  }
0xa0: {  	[sflag:s22] =	ssyncadd.s32 s4;
	_ =	sdelay $0x1  }
0xa1: {  	s23 =	simm.s32 $0x1B8B  }
0xa2: {  	_ =	swait.ge [sflag:s23], $0x1  }
0xa3: {  	[sflag:s23] =	ssyncset.done $0x0  }
0xa4: {  	s25 =	simm.s32 $0x1B8E;
	s24 =	sld [smem:$0x3FFE];
	[sflag:s23] =	ssyncadd.s32 $0xFFFFFFFF  }
0xa5: {  	s26 =	simm.s32 $execute0_lowered;
	[smem:$0x3FD2] =	sst s25  }
0xa6: {  	s5 =	sshll.u32 s26, $0x1;
	_ =	strace $0x80000049;
	[dreg:$0x1] =	wrdreg $0xFFFFFFFF  }
0xa7: {  	s28 =	simm.s32 $_size_execute0_lowered;
	s3 =	sadd.s32 s3, s5;
	[dreg:$0x0] =	wrdreg $0x0  }
0xa8: {  	s5 =	sshll.u32 s28, $0x1;
	[dreg:$0x2] =	wrdreg s3  }
0xa9: {  	[dreg:$0x3] =	wrdreg s5  }
0xaa: {  	[dreg:$0x4] =	wrdreg $0xC0  }
0xab: {  	_ =	task [dreg:s7], $0x5FFFF  }
0xac: {  	[dreg:$0x1] =	wrdreg $0xFFFFFFFF  }
0xad: {  	[dreg:$0x0] =	wrdreg $0x60  }
0xae: {  	[dreg:$0x2] =	wrdreg s24  }
0xaf: {  	[dreg:$0x3] =	wrdreg s2  }
0xb0: {  	[dreg:$0x4] =	wrdreg $0xAF000  }
0xb1: {  	[dreg:$0x5] =	wrdreg $0x87800  }
0xb2: {  	[dreg:$0x6] =	wrdreg $0x9  }
0xb3: {  	_ =	task.clear_ibuf [dreg:s7], $0x7FFFF;
	_ =	strace $0x90000049  }
0xb4: {  	s29 =	simm.s32 $0x9;
	_ =	strace $0x8000004B  }
0xb5: {  	_ =	swait.ge [sflag:s29], $0x1  }
0xb6: {  	[sflag:s29] =	ssyncadd.s32 $0xFFFFFFFF  }
0xb7: {  	_ =	strace $0x9000004B  }
0xb8: {  	_ =	sfence  }
0xb9: {  	s30 =	sld [smem:$0x0];
	_ =	sdelay $0x2  }
0xba: {  	s31 =	sshll.u32 s1, $0xD;
	s1 =	sshrl.u32 s1, $0x2  }
0xbb: {  	s3 =	sand.u32 $0x4000, s31;
	s1 =	sadd.s32 s1, s30  }
0xbc: {  	s0 =	sor.u32 s3, s0;
	s1 =	sshll.u32 s1, $0x11  }
0xbd: {  	s0 =	sor.u32 s1, s0  }
0xbe: {  	s0 =	sadd.s32 $0x8F2B, s0  }
0xbf: {  	[sflag:s0] =	ssyncadd.remote.s32 $0x1  }
0xc0: {  	_ =	sfence.sel $0xFFFF  }
0xc1: {  	[dreg:$0x0] =	wrdreg $0xFFFFFFFF;
	(pc) =	sbr.abs _section_cstart, $3  }
0xc2: {  	[dreg:$0x1] =	wrdreg $0xFFFFFFFF  }
0xc3: {  	_ =	task.clear_ibuf [dreg:s7], $0x2FFFF;
	_ =	strace $0x9FFFFFFF  }
0xc4: {  	(tm) =	ssettm $0x7FFFFFFF  }
0xc5: {  	_ =	shalt  }
tec
execute0_lowered:
.L_overlay_start_1:
0x0: {  	(tag) =	ssettag $0x1  }
0x1: {  	s6 =	rddreg [dreg:$0x0]  }
0x2: {  	s9 =	rddreg [dreg:$0x1]  }
0x3: {  	s1 =	rddreg [dreg:$0x2]  }
0x4: {  	s0 =	srdreg.scid;
	s3 =	rddreg [dreg:$0x3]  }
0x5: {  	s2 =	stileid.u32;
	s4 =	simm.s32 $0x0;
	s15 =	simm.s32 $0x5000  }
0x6: {  	s16 =	simm.s32 $0x5800;
	s17 =	simm.s32 $0x1;
	s18 =	simm.s32 $0x2  }
0x7: {  	s19 =	simm.s32 $0x3;
	s20 =	simm.s32 $0x4;
	s21 =	simm.s32 $0x4F00  }
0x8: {  	s22 =	simm.s32 $0x4F80;
	s7 =	sand.u32 $0x1, s0;
	s0 =	rddreg [dreg:$0x4]  }
0x9: {  	s8 =	smul.u32 $0x2780, s2;
	[smem:$0x7FF] =	sst s4;
	s14 =	sadd.s32 $0xCA00, s6  }
0xa: {  	s5 =	sshll.u32 s7, $0x4;
	_ =	strace $0x8000004A;
	s30 =	ssub.s32 $0x2, s7  }
0xb: {  	s31 =	smul.u32 $0x4F00, s7;
	s5 =	sor.u32 s2, s5;
	s23 =	sshrl.u32 s8, $0x3  }
0xc: {  	s13 =	sshrl.u32 s30, $0x1;
	s7 =	sadd.s32 s8, s1;
	s8 =	sadd.s32 s8, s3  }
0xd: {  	s11 =	smul.u32 $0x500, s5;
	s10 =	sadd.s32 s23, s6;
	s13 =	ssub.s32 s30, s13  }
0xe: {  	s24 =	sadd.s32 s9, s31;
	s9 =	smax.u32 s13, $0x1;
	s13 =	simm.s32 $0x6000  }
0xf: {  	s23 =	sadd.s32 s23, s24;
	s24 =	simm.s32 $0x0;
	s12 =	sadd.s32 s11, s6  }
0x10: {  	s6 =	sadd.s32 $0x16A00, s10;
	s10 =	simm.s32 $0x5;
	s11 =	sadd.s32 s11, s14  }
0x11: {  	v0 =	vimm.f32 $0.0e+00;
	s14 =	simm.s32 $0x80;
	s5 =	sadd.s32 $0x2A00, s12;
	s12 =	simm.s32 $0x2800  }
.LBB2_1:
0x12: {  	[tilespmem:s4], [sflag:$0x5] =	stream.linear.gather [hbm4b:s5+s4], $0x2800, $0x38;
	[tilespmem:$0xD680] =	vst v63  }
0x13: {  	_ =	swait.ge [sflag:s10], $0x2800  }
0x14: {  	[sflag:s10] =	ssyncset.done $0x0  }
0x15: {  	[sflag:s10] =	ssyncadd.s32 $0xFFFFD800  }
0x16: {  	[tilespmem:s12], [sflag:$0x5] =	stream.linear.gather [hbm4b:s11+s4], $0x2800, $0x38;
	[tilespmem:$0xD680] =	vst v63  }
0x17: {  	_ =	swait.ge [sflag:s10], $0x2800  }
0x18: {  	[sflag:s10] =	ssyncset.done $0x0  }
0x19: {  	[sflag:s10] =	ssyncadd.s32 $0xFFFFD800  }
0x1a: {  	[tilespmem:s13], [sflag:$0x5] =	stream.linear.gather [hbm4b:s6+s4], $0x2780, $0x38;
	[tilespmem:$0xD680] =	vst v63  }
0x1b: {  	_ =	swait.ge [sflag:s10], $0x2780  }
0x1c: {  	[sflag:s10] =	ssyncset.done $0x0  }
0x1d: {  	[sflag:s10] =	ssyncadd.s32 $0xFFFFD880  }
0x1e: {  	[spmem:s7] =	stream.linear.scatter [tilespmem:s13], [sflag:$0x5], $0x2780, $0x38;
	[tilespmem:$0xD680] =	vst v63  }
0x1f: {  	_ =	swait.ge [sflag:s10], $0x2780  }
0x20: {  	[sflag:s10] =	ssyncset.done $0x0  }
0x21: {  	s25 =	simm.s32 $0x40;
	s26 =	simm.s32 $0x0;
	[sflag:s10] =	ssyncadd.s32 $0xFFFFD880  }
.LBB2_2:
0x22: {  	p0 =	sne.s32 s25, $0x9DC0;
	[tilespmem:s26+$0x6000] =	vst v0;
	s26 =	smov.u32 s25;
	s25 =	sadd.s32 $0x40, s25  }
.Ltmp0:
0x23: {  	(pc) =	sbr.rel @p0 .LBB2_2-.Ltmp0, $2  }
0x24: {  	_ =	sdelay $0x2  }
0x25: {  	s26 =	sshra.s32 s26, $0x2  }
0x26: {  	[tilespmem:s26+$0x6000] =	vst v0  }
0x27: {  	[spmem:s8] =	stream.linear.scatter [tilespmem:s13], [sflag:$0x5], $0x2780, $0x38;
	[tilespmem:$0xD680] =	vst v63  }
0x28: {  	_ =	swait.ge [sflag:s10], $0x2780  }
0x29: {  	[sflag:s10] =	ssyncset.done $0x0  }
0x2a: {  	[sflag:s10] =	ssyncadd.s32 $0xFFFFD880  }
0x2b: {  	s25 =	simm.s32 $0x0;
	[bflag:$0x0] =	sbarrier.arrive $0xFFFF  }
0x2c: {  	[tilespmem:s15], [sflag:$0x1] =	stream.indirect.gather [spmem:s1], $0x10, s25, s14, $0xb8;
	[tilespmem:$0xD680] =	vst v63  }
0x2d: {  	_ = 	snop  }
0x2e: {  	[tilespmem:s16], [sflag:$0x2] =	stream.indirect.gather [spmem:s1], $0x10, s14, s14, $0xb8;
	[tilespmem:$0xD680] =	vst v63  }
0x2f: {  	_ =	swait.ge [sflag:s17], $0x800  }
0x30: {  	[sflag:s17] =	ssyncset.done $0x0  }
0x31: {  	s29 =	simm.s32 $0x2800;
	[sflag:s17] =	ssyncadd.s32 $0xFFFFF800  }
0x32: {  	[spmem:s3] =	stream.indirect.scatter.add.f32 [tilespmem:s15], [sflag:$0x3], $0x10, s29, s14, $0xb8;
	[tilespmem:$0xD680] =	vst v63  }
0x33: {  	_ =	swait.ge [sflag:s18], $0x800  }
0x34: {  	[sflag:s18] =	ssyncset.done $0x0  }
0x35: {  	s30 =	simm.s32 $0x2880;
	[sflag:s18] =	ssyncadd.s32 $0xFFFFF800  }
0x36: {  	[spmem:s3] =	stream.indirect.scatter.add.f32 [tilespmem:s16], [sflag:$0x4], $0x10, s30, s14, $0xb8;
	[tilespmem:$0xD680] =	vst v63  }
0x37: {  	_ =	swait.ge [sflag:s19], $0x800  }
0x38: {  	[sflag:s19] =	ssyncset.done $0x0  }
0x39: {  	s31 =	simm.s32 $0x100;
	[sflag:s19] =	ssyncadd.s32 $0xFFFFF800  }
0x3a: {  	[tilespmem:s15], [sflag:$0x1] =	stream.indirect.gather [spmem:s1], $0x10, s31, s14, $0xb8;
	[tilespmem:$0xD680] =	vst v63  }
0x3b: {  	_ =	swait.ge [sflag:s20], $0x800  }
0x3c: {  	[sflag:s20] =	ssyncset.done $0x0  }
0x3d: {  	s26 =	simm.s32 $0x180;
	s25 =	simm.s32 $0x400;
	[sflag:s20] =	ssyncadd.s32 $0xFFFFF800  }
.LBB2_4:
0x3e: {  	[tilespmem:s16], [sflag:$0x2] =	stream.indirect.gather [spmem:s1], $0x10, s26, s14, $0xb8;
	[tilespmem:$0xD680] =	vst v63  }
0x3f: {  	s26 =	smov.u32 s25  }
0x40: {  	p0 =	sne.s32 s25, $0x9800;
	s25 =	sadd.s32 $0x400, s25;
	_ =	swait.ge [sflag:s17], $0x800  }
0x41: {  	s26 =	sshra.s32 s26, $0x2;
	[sflag:s17] =	ssyncset.done $0x0  }
0x42: {  	s28 =	sadd.s32 $0x2800, s26;
	[sflag:s17] =	ssyncadd.s32 $0xFFFFF800  }
0x43: {  	[spmem:s3] =	stream.indirect.scatter.add.f32 [tilespmem:s15], [sflag:$0x3], $0x10, s28, s14, $0xb8;
	[tilespmem:$0xD680] =	vst v63  }
0x44: {  	_ =	swait.ge [sflag:s18], $0x800  }
0x45: {  	[sflag:s18] =	ssyncset.done $0x0  }
0x46: {  	s28 =	sadd.s32 $0x2880, s26;
	[sflag:s18] =	ssyncadd.s32 $0xFFFFF800  }
0x47: {  	[spmem:s3] =	stream.indirect.scatter.add.f32 [tilespmem:s16], [sflag:$0x4], $0x10, s28, s14, $0xb8;
	[tilespmem:$0xD680] =	vst v63  }
0x48: {  	_ =	swait.ge [sflag:s19], $0x800  }
0x49: {  	[sflag:s19] =	ssyncset.done $0x0  }
.Ltmp1:
0x4a: {  	s28 =	sadd.s32 $0x100, s26;
	[sflag:s19] =	ssyncadd.s32 $0xFFFFF800;
	(pc) =	sbr.rel @p0 .LBB2_4-.Ltmp1, $4  }
0x4b: {  	[tilespmem:s15], [sflag:$0x1] =	stream.indirect.gather [spmem:s1], $0x10, s28, s14, $0xb8;
	[tilespmem:$0xD680] =	vst v63  }
0x4c: {  	_ =	swait.ge [sflag:s20], $0x800  }
0x4d: {  	[sflag:s20] =	ssyncset.done $0x0  }
0x4e: {  	s26 =	sadd.s32 $0x180, s26;
	[sflag:s20] =	ssyncadd.s32 $0xFFFFF800  }
0x4f: {  	[tilespmem:s16], [sflag:$0x2] =	stream.indirect.gather [spmem:s1], $0x10, s26, s14, $0xb8;
	[tilespmem:$0xD680] =	vst v63  }
0x50: {  	_ =	swait.ge [sflag:s17], $0x800  }
0x51: {  	[sflag:s17] =	ssyncset.done $0x0  }
0x52: {  	[sflag:s17] =	ssyncadd.s32 $0xFFFFF800  }
0x53: {  	[spmem:s3] =	stream.indirect.scatter.add.f32 [tilespmem:s15], [sflag:$0x3], $0x10, s21, s14, $0xb8;
	[tilespmem:$0xD680] =	vst v63  }
0x54: {  	_ =	swait.ge [sflag:s18], $0x800  }
0x55: {  	[sflag:s18] =	ssyncset.done $0x0  }
0x56: {  	[sflag:s18] =	ssyncadd.s32 $0xFFFFF800  }
0x57: {  	[spmem:s3] =	stream.indirect.scatter.add.f32 [tilespmem:s16], [sflag:$0x4], $0x10, s22, s14, $0xb8;
	[tilespmem:$0xD680] =	vst v63  }
0x58: {  	_ =	swait.ge [sflag:s19], $0x800  }
0x59: {  	[sflag:s19] =	ssyncset.done $0x0  }
0x5a: {  	[sflag:s19] =	ssyncadd.s32 $0xFFFFF800  }
0x5b: {  	_ =	swait.ge [sflag:s20], $0x800  }
0x5c: {  	[sflag:s20] =	ssyncset.done $0x0  }
0x5d: {  	[sflag:s20] =	ssyncadd.s32 $0xFFFFF800  }
0x5e: {  	[bflag:$0x0] =	sbarrier.arrive $0xFFFF  }
0x5f: {  	[tilespmem:s13], [sflag:$0x5] =	stream.linear.gather [spmem:s8], $0x2780, $0x38;
	[tilespmem:$0xD680] =	vst v63  }
0x60: {  	s24 =	sadd.s32 $0x1, s24;
	_ =	swait.ge [sflag:s10], $0x2780  }
0x61: {  	p0 =	sne.s32 s24, s9;
	[sflag:s10] =	ssyncset.done $0x0  }
.Ltmp2:
0x62: {  	[sflag:s10] =	ssyncadd.s32 $0xFFFFD880;
	(pc) =	sbr.rel @p0 .LBB2_1-.Ltmp2, $4  }
0x63: {  	[hbm4b:s23+s4] =	stream.linear.scatter [tilespmem:s13], [sflag:$0x5], $0x2780, $0x38;
	[tilespmem:$0xD680] =	vst v63  }
0x64: {  	_ =	swait.ge [sflag:s10], $0x2780  }
0x65: {  	[sflag:s10] =	ssyncset.done $0x0  }
0x66: {  	[sflag:s10] =	ssyncadd.s32 $0xFFFFD880  }
0x67: {  	_ =	sfence.sel $0x180000  }
0x68: {  	[bflag:$0x0] =	sbarrier.arrive $0xFFFF  }
0x69: {  	p0 =	sne.s32 s2, $0x0;
	_ =	strace $0x9000004A  }
0x6a: {  	s0 =	sadd.s32 @!p0 $0x100000, s0;
	[bflag:$0x2] =	sbarrier.arrive $0xFFFF  }
0x6b: {  	[sflag:s0] =	ssyncadd.tile.s32 @!p0 $0x1;
	_ =	shalt  }
.Lfunc_end2:
_tile_overlayer_lowered:
.L_overlay_start_2:
0x6c: {  	(tag) =	ssettag $0x2  }
0x6d: {  	s0 =	rddreg [dreg:$0x0];
	s2 =	stileid.u32  }
0x6e: {  	s1 =	rddreg [dreg:$0x1];
	p0 =	sne.s32 s2, $0x0  }
0x6f: {  	s3 =	rddreg [dreg:$0x2];
	[bflag:$0x3] =	sbarrier.arrive $0xFFFF;
	s2 =	simm.s32 @!p0 $0x1C05  }
0x70: {  	[timem:s3], [sflag:s2] =	dma.local @!p0 [hbm:s0], s1  }
0x71: {  	s0 =	simm.s32 @!p0 $0x5  }
0x72: {  	_ =	swait.ge @!p0 [sflag:s0], s1  }
0x73: {  	s1 =	ssub.s32 @!p0 $0x0, s1;
	[sflag:s0] =	ssyncset.done @!p0 $0x0  }
0x74: {  	[sflag:s0] =	ssyncadd.s32 @!p0 s1  }
0x75: {  	[bflag:$0x3] =	sbarrier.arrive $0xFFFF  }
0x76: {  	_ =	shalt  }

// kernel: kernel.15.cloned.1.call-start
scs
__scs_entry_jumppad:
0x0: {  	(pc) =	sbr.rel $0x88, $3  }
0x1: {  	(tag) =	ssettag $0x0;
	lr =	simm.s32 $0x1  }
0x2: {  	[smem:$0x3F9B] =	sst lr;
	_ =	strace $0xD0000000  }
0x3: {  	_ = 	snop  }
0x4: {  	_ = 	snop  }
0x5: {  	_ = 	snop  }
0x6: {  	_ = 	snop  }
0x7: {  	_ = 	snop  }
__scs_overlays_trampoline_lowered:
0x8: {  	[smem:$0x3FAA] =	sst s0  }
0x9: {  	[smem:$0x3FAB] =	sst s1  }
0xa: {  	[smem:$0x3FAC] =	sst s2  }
0xb: {  	[smem:$0x3FAD] =	sst s3  }
0xc: {  	[smem:$0x3FAE] =	sst s4  }
0xd: {  	[smem:$0x3FAF] =	sst s5  }
0xe: {  	[smem:$0x3FB0] =	sst s6  }
0xf: {  	[smem:$0x3FB1] =	sst s7  }
0x10: {  	[smem:$0x3FB2] =	sst s8  }
0x11: {  	[smem:$0x3FB3] =	sst s9;
	s0 =	simm.s32 @!p0 $0x0  }
0x12: {  	s1 =	sld [smem:$0x3F99];
	s0 =	simm.s32 @p0 $0x1  }
0x13: {  	[smem:$0x3FB4] =	sst s0;
	s0 =	simm.s32 @!p1 $0x0  }
0x14: {  	s2 =	sld [smem:$0x3F98];
	s0 =	simm.s32 @p1 $0x1  }
0x15: {  	[smem:$0x3FB5] =	sst s0;
	s0 =	simm.s32 @!p2 $0x0  }
0x16: {  	s3 =	sld [smem:$0x3FDB];
	s0 =	simm.s32 @p2 $0x1  }
0x17: {  	s4 =	simm.s32 $0x1BF5;
	[smem:$0x3FB7] =	sst s0  }
0x18: {  	s0 =	sld [smem:$0x3F9A];
	_ =	swait.ge [sflag:s4], $0x0  }
0x19: {  	s7 =	sld [smem:$0x3F9B]  }
0x1a: {  	s8 =	sadd.s32 $0xFFFFE003, lr  }
0x1b: {  	s9 =	sadd.s32 $0xFFFFFEF7, lr;
	s5 =	simm.s32 $0xFFFFFFFF;
	p2 =	slt.u32 s8, $0xFFFFF086  }
0x1c: {  	p1 =	slt.u32 s9, $0xF7A;
	s5 =	simm.s32 @!p2 $0x0  }
0x1d: {  	s5 =	simm.s32 @p1 $0x1;
	p0 =	seq.s32 s7, s2  }
0x1e: {  	s7 =	smul.u32 @!p0 $0xF7A, s2;
	p2 =	seq.s32 @!p0 s5, $0x0  }
0x1f: {  	s9 =	smul.u32 $0xF7A, s1;
	s8 =	simm.s32 @!p0 $0x1BF5;
	p2 =	por !p2, p0  }
0x20: {  	[sflag:s8] =	ssyncset.s32 @!p0 $0xFFFFF086;
	s6 =	sadd.s32 @!p0 s3, s7;
	s7 =	simm.s32 @!p0 $0x108  }
0x21: {  	s3 =	sadd.s32 s3, s9;
	s6 =	sadd.s32 @!p0 $0x88, s6;
	s7 =	simm.s32 @p2 $0x1082  }
0x22: {  	[simem:s7], [sflag:s8] =	dma.local @!p0 [hbm:s6], $0xF7A  }
0x23: {  	s9 =	sor.u32 $0xD0000000, s2;
	s6 =	simm.s32 $0x108;
	_ =	swait.ge @!p0 [sflag:s8], $0x0  }
0x24: {  	s3 =	sadd.s32 $0x88, s3;
	s6 =	simm.s32 @!p1 $0x1082;
	[sflag:s4] =	ssyncset.s32 $0xFFFFF086  }
0x25: {  	[simem:s6], [sflag:s4] =	dma.local [hbm:s3], $0xF7A  }
0x26: {  	[smem:$0x3F9B] =	sst s1;
	(tag) =	ssettag s2;
	_ =	strace s9  }
0x27: {  	s1 =	sld [smem:$0x3FAB]  }
0x28: {  	s2 =	sld [smem:$0x3FAC]  }
0x29: {  	s4 =	sld [smem:$0x3FAE]  }
0x2a: {  	p0 =	seq.s32 s5, $0x0;
	s5 =	sld [smem:$0x3FAF]  }
0x2b: {  	s6 =	sld [smem:$0x3FB0]  }
0x2c: {  	s7 =	sld [smem:$0x3FB1]  }
0x2d: {  	s3 =	simm.s32 $0x108;
	s8 =	sld [smem:$0x3FB2]  }
0x2e: {  	s3 =	simm.s32 @!p0 $0x1082;
	s9 =	sld [smem:$0x3FB3]  }
0x2f: {  	lr =	sadd.s32 s0, s3;
	s0 =	sld [smem:$0x3FAA]  }
0x30: {  	s3 =	sld [smem:$0x3FAD]  }
0x31: {  	[smem:$0x3FB6] =	sst s10  }
0x32: {  	s10 =	sld [smem:$0x3FB4];
	_ =	sdelay $0x3  }
0x33: {  	p0 =	seq.s32 s10, $0x1;
	s10 =	sld [smem:$0x3FB6];
	_ =	sdelay $0x3  }
0x34: {  	[smem:$0x3FB6] =	sst s10  }
0x35: {  	s10 =	sld [smem:$0x3FB5];
	_ =	sdelay $0x3  }
0x36: {  	p1 =	seq.s32 s10, $0x1;
	s10 =	sld [smem:$0x3FB6];
	_ =	sdelay $0x3  }
0x37: {  	[smem:$0x3FB6] =	sst s10  }
0x38: {  	s10 =	sld [smem:$0x3FB7]  }
0x39: {  	_ = 	snop;
	(pc) =	sbr.ind lr, $3  }
0x3a: {  	_ = 	snop  }
0x3b: {  	_ = 	snop  }
0x3c: {  	p2 =	seq.s32 s10, $0x1;
	s10 =	sld [smem:$0x3FB6]  }
0x3d: {  	_ =	shalt  }
0x3e: {  	_ =	shalt  }
0x3f: {  	_ =	shalt  }
0x40: {  	_ =	shalt  }
0x41: {  	_ =	shalt  }
0x42: {  	_ =	shalt  }
0x43: {  	_ =	shalt  }
0x44: {  	_ =	shalt  }
0x45: {  	_ =	shalt  }
0x46: {  	_ =	shalt  }
0x47: {  	_ =	shalt  }
0x48: {  	_ =	shalt  }
0x49: {  	_ =	shalt  }
0x4a: {  	_ =	shalt  }
0x4b: {  	_ =	shalt  }
0x4c: {  	_ =	shalt  }
0x4d: {  	_ =	shalt  }
0x4e: {  	_ =	shalt  }
0x4f: {  	_ =	shalt  }
0x50: {  	_ =	shalt  }
0x51: {  	_ =	shalt  }
0x52: {  	_ =	shalt  }
0x53: {  	_ =	shalt  }
0x54: {  	_ =	shalt  }
0x55: {  	_ =	shalt  }
0x56: {  	_ =	shalt  }
0x57: {  	_ =	shalt  }
0x58: {  	_ =	shalt  }
0x59: {  	_ =	shalt  }
0x5a: {  	_ =	shalt  }
0x5b: {  	_ =	shalt  }
0x5c: {  	_ =	shalt  }
0x5d: {  	_ =	shalt  }
0x5e: {  	_ =	shalt  }
0x5f: {  	_ =	shalt  }
0x60: {  	_ =	shalt  }
0x61: {  	_ =	shalt  }
0x62: {  	_ =	shalt  }
0x63: {  	_ =	shalt  }
0x64: {  	_ =	shalt  }
0x65: {  	_ =	shalt  }
0x66: {  	_ =	shalt  }
0x67: {  	_ =	shalt  }
0x68: {  	_ =	shalt  }
0x69: {  	_ =	shalt  }
0x6a: {  	_ =	shalt  }
0x6b: {  	_ =	shalt  }
0x6c: {  	_ =	shalt  }
0x6d: {  	_ =	shalt  }
0x6e: {  	_ =	shalt  }
0x6f: {  	_ =	shalt  }
0x70: {  	_ =	shalt  }
0x71: {  	_ =	shalt  }
0x72: {  	_ =	shalt  }
0x73: {  	_ =	shalt  }
0x74: {  	_ =	shalt  }
0x75: {  	_ =	shalt  }
0x76: {  	_ =	shalt  }
0x77: {  	_ =	shalt  }
0x78: {  	_ =	shalt  }
0x79: {  	_ =	shalt  }
0x7a: {  	_ =	shalt  }
0x7b: {  	_ =	shalt  }
0x7c: {  	_ =	shalt  }
0x7d: {  	_ =	shalt  }
0x7e: {  	_ =	shalt  }
0x7f: {  	_ =	shalt  }
0x80: {  	_ =	shalt  }
0x81: {  	_ =	shalt  }
0x82: {  	_ =	shalt  }
0x83: {  	_ =	shalt  }
0x84: {  	_ =	shalt  }
0x85: {  	_ =	shalt  }
0x86: {  	_ =	shalt  }
0x87: {  	_ =	shalt  }
.Lfunc_end0:
.L_simem_size_0:
called_computation.2_lowered:
.L_overlay_start_0:
0x88: {  	s2 =	sld [smem:$0x3FD9]  }
0x89: {  	s3 =	sld [smem:$0x3FFE];
	_ =	sdelay $0x1  }
0x8a: {  	s1 =	srdreg.scid  }
0x8b: {  	s0 =	sand.u32 $0x1, s1  }
0x8c: {  	s17 =	sshll.u32 s0, $0xA;
	s2 =	sadd.s32 s3, s2  }
0x8d: {  	s2 =	sadd.s32 s2, s17  }
0x8e: {  	[smem:$0x3FC2] =	sst s2  }
0x8f: {  	_ = 	snop  }
0x90: {  	s2 =	sld [smem:$0x3FD0];
	(tm) =	ssettm $0x1  }
0x91: {  	s18 =	sld [smem:$0x3FFB];
	_ =	sdelay $0x3  }
0x92: {  	_ =	strace s18  }
0x93: {  	s3 =	sld [smem:$0x3FFC];
	_ =	sdelay $0x3  }
0x94: {  	_ =	strace s3  }
0x95: {  	s3 =	sld [smem:$0x3FFD];
	_ =	sdelay $0x3  }
0x96: {  	_ =	strace s3  }
0x97: {  	_ =	strace $0x8FFFFFFF  }
0x98: {  	s19 =	sld [smem:$0x3FDB];
	_ =	sdelay $0x1  }
0x99: {  	s4 =	simm.s32 $_scs_section_size  }
0x9a: {  	s5 =	simm.s32 $_size__tile_overlayer_lowered;
	s6 =	simm.s32 $_tile_overlayer_lowered  }
0x9b: {  	s22 =	simm.s32 $0x1BFF;
	s21 =	sshll.u32 s6, $0x1;
	s3 =	sadd.s32 s4, s19  }
0x9c: {  	s7 =	simm.s32 $0x0;
	s20 =	sshll.u32 s5, $0x1;
	s5 =	sadd.s32 s21, s3  }
0x9d: {  	[timem:s7], [sflag:s22] =	dma.local [hbm:s5], s20  }
0x9e: {  	_ =	swait.ge [sflag:s22], s20  }
0x9f: {  	s4 =	ssub.s32 $0x0, s20;
	[sflag:s22] =	ssyncset.done $0x0  }
0xa0: {  	[sflag:s22] =	ssyncadd.s32 s4;
	_ =	sdelay $0x1  }
0xa1: {  	s23 =	simm.s32 $0x1B8B  }
0xa2: {  	_ =	swait.ge [sflag:s23], $0x1  }
0xa3: {  	[sflag:s23] =	ssyncset.done $0x0  }
0xa4: {  	s25 =	simm.s32 $0x1B8E;
	s24 =	sld [smem:$0x3FFE];
	[sflag:s23] =	ssyncadd.s32 $0xFFFFFFFF  }
0xa5: {  	s26 =	simm.s32 $execute0_lowered;
	[smem:$0x3FD2] =	sst s25  }
0xa6: {  	s5 =	sshll.u32 s26, $0x1;
	_ =	strace $0x8000004C;
	[dreg:$0x1] =	wrdreg $0xFFFFFFFF  }
0xa7: {  	s28 =	simm.s32 $_size_execute0_lowered;
	s3 =	sadd.s32 s3, s5;
	[dreg:$0x0] =	wrdreg $0x0  }
0xa8: {  	s5 =	sshll.u32 s28, $0x1;
	[dreg:$0x2] =	wrdreg s3  }
0xa9: {  	[dreg:$0x3] =	wrdreg s5  }
0xaa: {  	[dreg:$0x4] =	wrdreg $0xC0  }
0xab: {  	_ =	task [dreg:s7], $0x5FFFF  }
0xac: {  	[dreg:$0x1] =	wrdreg $0xFFFFFFFF  }
0xad: {  	[dreg:$0x0] =	wrdreg $0x60  }
0xae: {  	[dreg:$0x2] =	wrdreg s24  }
0xaf: {  	[dreg:$0x3] =	wrdreg s2  }
0xb0: {  	[dreg:$0x4] =	wrdreg $0xAF000  }
0xb1: {  	[dreg:$0x5] =	wrdreg $0x87800  }
0xb2: {  	[dreg:$0x6] =	wrdreg $0x9  }
0xb3: {  	_ =	task.clear_ibuf [dreg:s7], $0x7FFFF;
	_ =	strace $0x9000004C  }
0xb4: {  	s29 =	simm.s32 $0x9;
	_ =	strace $0x8000004E  }
0xb5: {  	_ =	swait.ge [sflag:s29], $0x1  }
0xb6: {  	[sflag:s29] =	ssyncadd.s32 $0xFFFFFFFF  }
0xb7: {  	_ =	strace $0x9000004E  }
0xb8: {  	_ =	sfence  }
0xb9: {  	s30 =	sld [smem:$0x0];
	_ =	sdelay $0x2  }
0xba: {  	s31 =	sshll.u32 s1, $0xD;
	s1 =	sshrl.u32 s1, $0x2  }
0xbb: {  	s3 =	sand.u32 $0x4000, s31;
	s1 =	sadd.s32 s1, s30  }
0xbc: {  	s0 =	sor.u32 s3, s0;
	s1 =	sshll.u32 s1, $0x11  }
0xbd: {  	s0 =	sor.u32 s1, s0  }
0xbe: {  	s0 =	sadd.s32 $0x8F2B, s0  }
0xbf: {  	[sflag:s0] =	ssyncadd.remote.s32 $0x1  }
0xc0: {  	_ =	sfence.sel $0xFFFF  }
0xc1: {  	[dreg:$0x0] =	wrdreg $0xFFFFFFFF;
	(pc) =	sbr.abs _section_cstart, $3  }
0xc2: {  	[dreg:$0x1] =	wrdreg $0xFFFFFFFF  }
0xc3: {  	_ =	task.clear_ibuf [dreg:s7], $0x2FFFF;
	_ =	strace $0x9FFFFFFF  }
0xc4: {  	(tm) =	ssettm $0x7FFFFFFF  }
0xc5: {  	_ =	shalt  }
tec
execute0_lowered:
.L_overlay_start_1:
0x0: {  	(tag) =	ssettag $0x1  }
0x1: {  	s6 =	rddreg [dreg:$0x0]  }
0x2: {  	s9 =	rddreg [dreg:$0x1]  }
0x3: {  	s1 =	rddreg [dreg:$0x2]  }
0x4: {  	s0 =	srdreg.scid;
	s3 =	rddreg [dreg:$0x3]  }
0x5: {  	s2 =	stileid.u32;
	s4 =	simm.s32 $0x0;
	s15 =	simm.s32 $0x5000  }
0x6: {  	s16 =	simm.s32 $0x5800;
	s17 =	simm.s32 $0x1;
	s18 =	simm.s32 $0x2  }
0x7: {  	s19 =	simm.s32 $0x3;
	s20 =	simm.s32 $0x4;
	s21 =	simm.s32 $0x4F00  }
0x8: {  	s22 =	simm.s32 $0x4F80;
	s7 =	sand.u32 $0x1, s0;
	s0 =	rddreg [dreg:$0x4]  }
0x9: {  	s8 =	smul.u32 $0x2780, s2;
	[smem:$0x7FF] =	sst s4;
	s14 =	sadd.s32 $0xCA00, s6  }
0xa: {  	s5 =	sshll.u32 s7, $0x4;
	_ =	strace $0x8000004D;
	s30 =	ssub.s32 $0x2, s7  }
0xb: {  	s31 =	smul.u32 $0x4F00, s7;
	s5 =	sor.u32 s2, s5;
	s23 =	sshrl.u32 s8, $0x3  }
0xc: {  	s13 =	sshrl.u32 s30, $0x1;
	s7 =	sadd.s32 s8, s1;
	s8 =	sadd.s32 s8, s3  }
0xd: {  	s11 =	smul.u32 $0x500, s5;
	s10 =	sadd.s32 s23, s6;
	s13 =	ssub.s32 s30, s13  }
0xe: {  	s24 =	sadd.s32 s9, s31;
	s9 =	smax.u32 s13, $0x1;
	s13 =	simm.s32 $0x6000  }
0xf: {  	s23 =	sadd.s32 s23, s24;
	s24 =	simm.s32 $0x0;
	s12 =	sadd.s32 s11, s6  }
0x10: {  	s6 =	sadd.s32 $0x16A00, s10;
	s10 =	simm.s32 $0x5;
	s11 =	sadd.s32 s11, s14  }
0x11: {  	v0 =	vimm.f32 $0.0e+00;
	s14 =	simm.s32 $0x80;
	s5 =	sadd.s32 $0x2A00, s12;
	s12 =	simm.s32 $0x2800  }
.LBB2_1:
0x12: {  	[tilespmem:s4], [sflag:$0x5] =	stream.linear.gather [hbm4b:s5+s4], $0x2800, $0x38;
	[tilespmem:$0xD680] =	vst v63  }
0x13: {  	_ =	swait.ge [sflag:s10], $0x2800  }
0x14: {  	[sflag:s10] =	ssyncset.done $0x0  }
0x15: {  	[sflag:s10] =	ssyncadd.s32 $0xFFFFD800  }
0x16: {  	[tilespmem:s12], [sflag:$0x5] =	stream.linear.gather [hbm4b:s11+s4], $0x2800, $0x38;
	[tilespmem:$0xD680] =	vst v63  }
0x17: {  	_ =	swait.ge [sflag:s10], $0x2800  }
0x18: {  	[sflag:s10] =	ssyncset.done $0x0  }
0x19: {  	[sflag:s10] =	ssyncadd.s32 $0xFFFFD800  }
0x1a: {  	[tilespmem:s13], [sflag:$0x5] =	stream.linear.gather [hbm4b:s6+s4], $0x2780, $0x38;
	[tilespmem:$0xD680] =	vst v63  }
0x1b: {  	_ =	swait.ge [sflag:s10], $0x2780  }
0x1c: {  	[sflag:s10] =	ssyncset.done $0x0  }
0x1d: {  	[sflag:s10] =	ssyncadd.s32 $0xFFFFD880  }
0x1e: {  	[spmem:s7] =	stream.linear.scatter [tilespmem:s13], [sflag:$0x5], $0x2780, $0x38;
	[tilespmem:$0xD680] =	vst v63  }
0x1f: {  	_ =	swait.ge [sflag:s10], $0x2780  }
0x20: {  	[sflag:s10] =	ssyncset.done $0x0  }
0x21: {  	s25 =	simm.s32 $0x40;
	s26 =	simm.s32 $0x0;
	[sflag:s10] =	ssyncadd.s32 $0xFFFFD880  }
.LBB2_2:
0x22: {  	p0 =	sne.s32 s25, $0x9DC0;
	[tilespmem:s26+$0x6000] =	vst v0;
	s26 =	smov.u32 s25;
	s25 =	sadd.s32 $0x40, s25  }
.Ltmp0:
0x23: {  	(pc) =	sbr.rel @p0 .LBB2_2-.Ltmp0, $2  }
0x24: {  	_ =	sdelay $0x2  }
0x25: {  	s26 =	sshra.s32 s26, $0x2  }
0x26: {  	[tilespmem:s26+$0x6000] =	vst v0  }
0x27: {  	[spmem:s8] =	stream.linear.scatter [tilespmem:s13], [sflag:$0x5], $0x2780, $0x38;
	[tilespmem:$0xD680] =	vst v63  }
0x28: {  	_ =	swait.ge [sflag:s10], $0x2780  }
0x29: {  	[sflag:s10] =	ssyncset.done $0x0  }
0x2a: {  	[sflag:s10] =	ssyncadd.s32 $0xFFFFD880  }
0x2b: {  	s25 =	simm.s32 $0x0;
	[bflag:$0x0] =	sbarrier.arrive $0xFFFF  }
0x2c: {  	[tilespmem:s15], [sflag:$0x1] =	stream.indirect.gather [spmem:s1], $0x10, s25, s14, $0xb8;
	[tilespmem:$0xD680] =	vst v63  }
0x2d: {  	_ = 	snop  }
0x2e: {  	[tilespmem:s16], [sflag:$0x2] =	stream.indirect.gather [spmem:s1], $0x10, s14, s14, $0xb8;
	[tilespmem:$0xD680] =	vst v63  }
0x2f: {  	_ =	swait.ge [sflag:s17], $0x800  }
0x30: {  	[sflag:s17] =	ssyncset.done $0x0  }
0x31: {  	s29 =	simm.s32 $0x2800;
	[sflag:s17] =	ssyncadd.s32 $0xFFFFF800  }
0x32: {  	[spmem:s3] =	stream.indirect.scatter.add.f32 [tilespmem:s15], [sflag:$0x3], $0x10, s29, s14, $0xb8;
	[tilespmem:$0xD680] =	vst v63  }
0x33: {  	_ =	swait.ge [sflag:s18], $0x800  }
0x34: {  	[sflag:s18] =	ssyncset.done $0x0  }
0x35: {  	s30 =	simm.s32 $0x2880;
	[sflag:s18] =	ssyncadd.s32 $0xFFFFF800  }
0x36: {  	[spmem:s3] =	stream.indirect.scatter.add.f32 [tilespmem:s16], [sflag:$0x4], $0x10, s30, s14, $0xb8;
	[tilespmem:$0xD680] =	vst v63  }
0x37: {  	_ =	swait.ge [sflag:s19], $0x800  }
0x38: {  	[sflag:s19] =	ssyncset.done $0x0  }
0x39: {  	s31 =	simm.s32 $0x100;
	[sflag:s19] =	ssyncadd.s32 $0xFFFFF800  }
0x3a: {  	[tilespmem:s15], [sflag:$0x1] =	stream.indirect.gather [spmem:s1], $0x10, s31, s14, $0xb8;
	[tilespmem:$0xD680] =	vst v63  }
0x3b: {  	_ =	swait.ge [sflag:s20], $0x800  }
0x3c: {  	[sflag:s20] =	ssyncset.done $0x0  }
0x3d: {  	s26 =	simm.s32 $0x180;
	s25 =	simm.s32 $0x400;
	[sflag:s20] =	ssyncadd.s32 $0xFFFFF800  }
.LBB2_4:
0x3e: {  	[tilespmem:s16], [sflag:$0x2] =	stream.indirect.gather [spmem:s1], $0x10, s26, s14, $0xb8;
	[tilespmem:$0xD680] =	vst v63  }
0x3f: {  	s26 =	smov.u32 s25  }
0x40: {  	p0 =	sne.s32 s25, $0x9800;
	s25 =	sadd.s32 $0x400, s25;
	_ =	swait.ge [sflag:s17], $0x800  }
0x41: {  	s26 =	sshra.s32 s26, $0x2;
	[sflag:s17] =	ssyncset.done $0x0  }
0x42: {  	s28 =	sadd.s32 $0x2800, s26;
	[sflag:s17] =	ssyncadd.s32 $0xFFFFF800  }
0x43: {  	[spmem:s3] =	stream.indirect.scatter.add.f32 [tilespmem:s15], [sflag:$0x3], $0x10, s28, s14, $0xb8;
	[tilespmem:$0xD680] =	vst v63  }
0x44: {  	_ =	swait.ge [sflag:s18], $0x800  }
0x45: {  	[sflag:s18] =	ssyncset.done $0x0  }
0x46: {  	s28 =	sadd.s32 $0x2880, s26;
	[sflag:s18] =	ssyncadd.s32 $0xFFFFF800  }
0x47: {  	[spmem:s3] =	stream.indirect.scatter.add.f32 [tilespmem:s16], [sflag:$0x4], $0x10, s28, s14, $0xb8;
	[tilespmem:$0xD680] =	vst v63  }
0x48: {  	_ =	swait.ge [sflag:s19], $0x800  }
0x49: {  	[sflag:s19] =	ssyncset.done $0x0  }
.Ltmp1:
0x4a: {  	s28 =	sadd.s32 $0x100, s26;
	[sflag:s19] =	ssyncadd.s32 $0xFFFFF800;
	(pc) =	sbr.rel @p0 .LBB2_4-.Ltmp1, $4  }
0x4b: {  	[tilespmem:s15], [sflag:$0x1] =	stream.indirect.gather [spmem:s1], $0x10, s28, s14, $0xb8;
	[tilespmem:$0xD680] =	vst v63  }
0x4c: {  	_ =	swait.ge [sflag:s20], $0x800  }
0x4d: {  	[sflag:s20] =	ssyncset.done $0x0  }
0x4e: {  	s26 =	sadd.s32 $0x180, s26;
	[sflag:s20] =	ssyncadd.s32 $0xFFFFF800  }
0x4f: {  	[tilespmem:s16], [sflag:$0x2] =	stream.indirect.gather [spmem:s1], $0x10, s26, s14, $0xb8;
	[tilespmem:$0xD680] =	vst v63  }
0x50: {  	_ =	swait.ge [sflag:s17], $0x800  }
0x51: {  	[sflag:s17] =	ssyncset.done $0x0  }
0x52: {  	[sflag:s17] =	ssyncadd.s32 $0xFFFFF800  }
0x53: {  	[spmem:s3] =	stream.indirect.scatter.add.f32 [tilespmem:s15], [sflag:$0x3], $0x10, s21, s14, $0xb8;
	[tilespmem:$0xD680] =	vst v63  }
0x54: {  	_ =	swait.ge [sflag:s18], $0x800  }
0x55: {  	[sflag:s18] =	ssyncset.done $0x0  }
0x56: {  	[sflag:s18] =	ssyncadd.s32 $0xFFFFF800  }
0x57: {  	[spmem:s3] =	stream.indirect.scatter.add.f32 [tilespmem:s16], [sflag:$0x4], $0x10, s22, s14, $0xb8;
	[tilespmem:$0xD680] =	vst v63  }
0x58: {  	_ =	swait.ge [sflag:s19], $0x800  }
0x59: {  	[sflag:s19] =	ssyncset.done $0x0  }
0x5a: {  	[sflag:s19] =	ssyncadd.s32 $0xFFFFF800  }
0x5b: {  	_ =	swait.ge [sflag:s20], $0x800  }
0x5c: {  	[sflag:s20] =	ssyncset.done $0x0  }
0x5d: {  	[sflag:s20] =	ssyncadd.s32 $0xFFFFF800  }
0x5e: {  	[bflag:$0x0] =	sbarrier.arrive $0xFFFF  }
0x5f: {  	[tilespmem:s13], [sflag:$0x5] =	stream.linear.gather [spmem:s8], $0x2780, $0x38;
	[tilespmem:$0xD680] =	vst v63  }
0x60: {  	s24 =	sadd.s32 $0x1, s24;
	_ =	swait.ge [sflag:s10], $0x2780  }
0x61: {  	p0 =	sne.s32 s24, s9;
	[sflag:s10] =	ssyncset.done $0x0  }
.Ltmp2:
0x62: {  	[sflag:s10] =	ssyncadd.s32 $0xFFFFD880;
	(pc) =	sbr.rel @p0 .LBB2_1-.Ltmp2, $4  }
0x63: {  	[hbm4b:s23+s4] =	stream.linear.scatter [tilespmem:s13], [sflag:$0x5], $0x2780, $0x38;
	[tilespmem:$0xD680] =	vst v63  }
0x64: {  	_ =	swait.ge [sflag:s10], $0x2780  }
0x65: {  	[sflag:s10] =	ssyncset.done $0x0  }
0x66: {  	[sflag:s10] =	ssyncadd.s32 $0xFFFFD880  }
0x67: {  	_ =	sfence.sel $0x180000  }
0x68: {  	[bflag:$0x0] =	sbarrier.arrive $0xFFFF  }
0x69: {  	p0 =	sne.s32 s2, $0x0;
	_ =	strace $0x9000004D  }
0x6a: {  	s0 =	sadd.s32 @!p0 $0x100000, s0;
	[bflag:$0x2] =	sbarrier.arrive $0xFFFF  }
0x6b: {  	[sflag:s0] =	ssyncadd.tile.s32 @!p0 $0x1;
	_ =	shalt  }
.Lfunc_end2:
_tile_overlayer_lowered:
.L_overlay_start_2:
0x6c: {  	(tag) =	ssettag $0x2  }
0x6d: {  	s0 =	rddreg [dreg:$0x0];
	s2 =	stileid.u32  }
0x6e: {  	s1 =	rddreg [dreg:$0x1];
	p0 =	sne.s32 s2, $0x0  }
0x6f: {  	s3 =	rddreg [dreg:$0x2];
	[bflag:$0x3] =	sbarrier.arrive $0xFFFF;
	s2 =	simm.s32 @!p0 $0x1C05  }
0x70: {  	[timem:s3], [sflag:s2] =	dma.local @!p0 [hbm:s0], s1  }
0x71: {  	s0 =	simm.s32 @!p0 $0x5  }
0x72: {  	_ =	swait.ge @!p0 [sflag:s0], s1  }
0x73: {  	s1 =	ssub.s32 @!p0 $0x0, s1;
	[sflag:s0] =	ssyncset.done @!p0 $0x0  }
0x74: {  	[sflag:s0] =	ssyncadd.s32 @!p0 s1  }
0x75: {  	[bflag:$0x3] =	sbarrier.arrive $0xFFFF  }
0x76: {  	_ =	shalt  }

// kernel: kernel.9.cloned.1.call-start
scs
__scs_entry_jumppad:
0x0: {  	(pc) =	sbr.rel $0x88, $3  }
0x1: {  	(tag) =	ssettag $0x0;
	lr =	simm.s32 $0x1  }
0x2: {  	[smem:$0x3F9B] =	sst lr;
	_ =	strace $0xD0000000  }
0x3: {  	_ = 	snop  }
0x4: {  	_ = 	snop  }
0x5: {  	_ = 	snop  }
0x6: {  	_ = 	snop  }
0x7: {  	_ = 	snop  }
__scs_overlays_trampoline_lowered:
0x8: {  	[smem:$0x3FAA] =	sst s0  }
0x9: {  	[smem:$0x3FAB] =	sst s1  }
0xa: {  	[smem:$0x3FAC] =	sst s2  }
0xb: {  	[smem:$0x3FAD] =	sst s3  }
0xc: {  	[smem:$0x3FAE] =	sst s4  }
0xd: {  	[smem:$0x3FAF] =	sst s5  }
0xe: {  	[smem:$0x3FB0] =	sst s6  }
0xf: {  	[smem:$0x3FB1] =	sst s7  }
0x10: {  	[smem:$0x3FB2] =	sst s8  }
0x11: {  	[smem:$0x3FB3] =	sst s9;
	s0 =	simm.s32 @!p0 $0x0  }
0x12: {  	s1 =	sld [smem:$0x3F99];
	s0 =	simm.s32 @p0 $0x1  }
0x13: {  	[smem:$0x3FB4] =	sst s0;
	s0 =	simm.s32 @!p1 $0x0  }
0x14: {  	s2 =	sld [smem:$0x3F98];
	s0 =	simm.s32 @p1 $0x1  }
0x15: {  	[smem:$0x3FB5] =	sst s0;
	s0 =	simm.s32 @!p2 $0x0  }
0x16: {  	s3 =	sld [smem:$0x3FDB];
	s0 =	simm.s32 @p2 $0x1  }
0x17: {  	s4 =	simm.s32 $0x1BF5;
	[smem:$0x3FB7] =	sst s0  }
0x18: {  	s0 =	sld [smem:$0x3F9A];
	_ =	swait.ge [sflag:s4], $0x0  }
0x19: {  	s7 =	sld [smem:$0x3F9B]  }
0x1a: {  	s8 =	sadd.s32 $0xFFFFE003, lr  }
0x1b: {  	s9 =	sadd.s32 $0xFFFFFEF7, lr;
	s5 =	simm.s32 $0xFFFFFFFF;
	p2 =	slt.u32 s8, $0xFFFFF086  }
0x1c: {  	p1 =	slt.u32 s9, $0xF7A;
	s5 =	simm.s32 @!p2 $0x0  }
0x1d: {  	s5 =	simm.s32 @p1 $0x1;
	p0 =	seq.s32 s7, s2  }
0x1e: {  	s7 =	smul.u32 @!p0 $0xF7A, s2;
	p2 =	seq.s32 @!p0 s5, $0x0  }
0x1f: {  	s9 =	smul.u32 $0xF7A, s1;
	s8 =	simm.s32 @!p0 $0x1BF5;
	p2 =	por !p2, p0  }
0x20: {  	[sflag:s8] =	ssyncset.s32 @!p0 $0xFFFFF086;
	s6 =	sadd.s32 @!p0 s3, s7;
	s7 =	simm.s32 @!p0 $0x108  }
0x21: {  	s3 =	sadd.s32 s3, s9;
	s6 =	sadd.s32 @!p0 $0x88, s6;
	s7 =	simm.s32 @p2 $0x1082  }
0x22: {  	[simem:s7], [sflag:s8] =	dma.local @!p0 [hbm:s6], $0xF7A  }
0x23: {  	s9 =	sor.u32 $0xD0000000, s2;
	s6 =	simm.s32 $0x108;
	_ =	swait.ge @!p0 [sflag:s8], $0x0  }
0x24: {  	s3 =	sadd.s32 $0x88, s3;
	s6 =	simm.s32 @!p1 $0x1082;
	[sflag:s4] =	ssyncset.s32 $0xFFFFF086  }
0x25: {  	[simem:s6], [sflag:s4] =	dma.local [hbm:s3], $0xF7A  }
0x26: {  	[smem:$0x3F9B] =	sst s1;
	(tag) =	ssettag s2;
	_ =	strace s9  }
0x27: {  	s1 =	sld [smem:$0x3FAB]  }
0x28: {  	s2 =	sld [smem:$0x3FAC]  }
0x29: {  	s4 =	sld [smem:$0x3FAE]  }
0x2a: {  	p0 =	seq.s32 s5, $0x0;
	s5 =	sld [smem:$0x3FAF]  }
0x2b: {  	s6 =	sld [smem:$0x3FB0]  }
0x2c: {  	s7 =	sld [smem:$0x3FB1]  }
0x2d: {  	s3 =	simm.s32 $0x108;
	s8 =	sld [smem:$0x3FB2]  }
0x2e: {  	s3 =	simm.s32 @!p0 $0x1082;
	s9 =	sld [smem:$0x3FB3]  }
0x2f: {  	lr =	sadd.s32 s0, s3;
	s0 =	sld [smem:$0x3FAA]  }
0x30: {  	s3 =	sld [smem:$0x3FAD]  }
0x31: {  	[smem:$0x3FB6] =	sst s10  }
0x32: {  	s10 =	sld [smem:$0x3FB4];
	_ =	sdelay $0x3  }
0x33: {  	p0 =	seq.s32 s10, $0x1;
	s10 =	sld [smem:$0x3FB6];
	_ =	sdelay $0x3  }
0x34: {  	[smem:$0x3FB6] =	sst s10  }
0x35: {  	s10 =	sld [smem:$0x3FB5];
	_ =	sdelay $0x3  }
0x36: {  	p1 =	seq.s32 s10, $0x1;
	s10 =	sld [smem:$0x3FB6];
	_ =	sdelay $0x3  }
0x37: {  	[smem:$0x3FB6] =	sst s10  }
0x38: {  	s10 =	sld [smem:$0x3FB7]  }
0x39: {  	_ = 	snop;
	(pc) =	sbr.ind lr, $3  }
0x3a: {  	_ = 	snop  }
0x3b: {  	_ = 	snop  }
0x3c: {  	p2 =	seq.s32 s10, $0x1;
	s10 =	sld [smem:$0x3FB6]  }
0x3d: {  	_ =	shalt  }
0x3e: {  	_ =	shalt  }
0x3f: {  	_ =	shalt  }
0x40: {  	_ =	shalt  }
0x41: {  	_ =	shalt  }
0x42: {  	_ =	shalt  }
0x43: {  	_ =	shalt  }
0x44: {  	_ =	shalt  }
0x45: {  	_ =	shalt  }
0x46: {  	_ =	shalt  }
0x47: {  	_ =	shalt  }
0x48: {  	_ =	shalt  }
0x49: {  	_ =	shalt  }
0x4a: {  	_ =	shalt  }
0x4b: {  	_ =	shalt  }
0x4c: {  	_ =	shalt  }
0x4d: {  	_ =	shalt  }
0x4e: {  	_ =	shalt  }
0x4f: {  	_ =	shalt  }
0x50: {  	_ =	shalt  }
0x51: {  	_ =	shalt  }
0x52: {  	_ =	shalt  }
0x53: {  	_ =	shalt  }
0x54: {  	_ =	shalt  }
0x55: {  	_ =	shalt  }
0x56: {  	_ =	shalt  }
0x57: {  	_ =	shalt  }
0x58: {  	_ =	shalt  }
0x59: {  	_ =	shalt  }
0x5a: {  	_ =	shalt  }
0x5b: {  	_ =	shalt  }
0x5c: {  	_ =	shalt  }
0x5d: {  	_ =	shalt  }
0x5e: {  	_ =	shalt  }
0x5f: {  	_ =	shalt  }
0x60: {  	_ =	shalt  }
0x61: {  	_ =	shalt  }
0x62: {  	_ =	shalt  }
0x63: {  	_ =	shalt  }
0x64: {  	_ =	shalt  }
0x65: {  	_ =	shalt  }
0x66: {  	_ =	shalt  }
0x67: {  	_ =	shalt  }
0x68: {  	_ =	shalt  }
0x69: {  	_ =	shalt  }
0x6a: {  	_ =	shalt  }
0x6b: {  	_ =	shalt  }
0x6c: {  	_ =	shalt  }
0x6d: {  	_ =	shalt  }
0x6e: {  	_ =	shalt  }
0x6f: {  	_ =	shalt  }
0x70: {  	_ =	shalt  }
0x71: {  	_ =	shalt  }
0x72: {  	_ =	shalt  }
0x73: {  	_ =	shalt  }
0x74: {  	_ =	shalt  }
0x75: {  	_ =	shalt  }
0x76: {  	_ =	shalt  }
0x77: {  	_ =	shalt  }
0x78: {  	_ =	shalt  }
0x79: {  	_ =	shalt  }
0x7a: {  	_ =	shalt  }
0x7b: {  	_ =	shalt  }
0x7c: {  	_ =	shalt  }
0x7d: {  	_ =	shalt  }
0x7e: {  	_ =	shalt  }
0x7f: {  	_ =	shalt  }
0x80: {  	_ =	shalt  }
0x81: {  	_ =	shalt  }
0x82: {  	_ =	shalt  }
0x83: {  	_ =	shalt  }
0x84: {  	_ =	shalt  }
0x85: {  	_ =	shalt  }
0x86: {  	_ =	shalt  }
0x87: {  	_ =	shalt  }
.Lfunc_end0:
.L_simem_size_0:
called_computation_lowered:
.L_overlay_start_0:
0x88: {  	s2 =	sld [smem:$0x3FD9]  }
0x89: {  	s3 =	sld [smem:$0x3FFE];
	_ =	sdelay $0x1  }
0x8a: {  	s1 =	srdreg.scid  }
0x8b: {  	s0 =	sand.u32 $0x1, s1  }
0x8c: {  	s17 =	sshll.u32 s0, $0xA;
	s2 =	sadd.s32 s3, s2  }
0x8d: {  	s2 =	sadd.s32 s2, s17  }
0x8e: {  	[smem:$0x3FC2] =	sst s2  }
0x8f: {  	_ = 	snop  }
0x90: {  	s2 =	sld [smem:$0x3FD0];
	(tm) =	ssettm $0x1  }
0x91: {  	s18 =	sld [smem:$0x3FFB];
	_ =	sdelay $0x3  }
0x92: {  	_ =	strace s18  }
0x93: {  	s3 =	sld [smem:$0x3FFC];
	_ =	sdelay $0x3  }
0x94: {  	_ =	strace s3  }
0x95: {  	s3 =	sld [smem:$0x3FFD];
	_ =	sdelay $0x3  }
0x96: {  	_ =	strace s3  }
0x97: {  	_ =	strace $0x8FFFFFFF  }
0x98: {  	s19 =	sld [smem:$0x3FDB];
	_ =	sdelay $0x1  }
0x99: {  	s4 =	simm.s32 $_scs_section_size  }
0x9a: {  	s5 =	simm.s32 $_size__tile_overlayer_lowered;
	s6 =	simm.s32 $_tile_overlayer_lowered  }
0x9b: {  	s22 =	simm.s32 $0x1BFF;
	s21 =	sshll.u32 s6, $0x1;
	s3 =	sadd.s32 s4, s19  }
0x9c: {  	s7 =	simm.s32 $0x0;
	s20 =	sshll.u32 s5, $0x1;
	s5 =	sadd.s32 s21, s3  }
0x9d: {  	[timem:s7], [sflag:s22] =	dma.local [hbm:s5], s20  }
0x9e: {  	_ =	swait.ge [sflag:s22], s20  }
0x9f: {  	s4 =	ssub.s32 $0x0, s20;
	[sflag:s22] =	ssyncset.done $0x0  }
0xa0: {  	[sflag:s22] =	ssyncadd.s32 s4;
	_ =	sdelay $0x1  }
0xa1: {  	s23 =	simm.s32 $0x1B8B  }
0xa2: {  	_ =	swait.ge [sflag:s23], $0x1  }
0xa3: {  	[sflag:s23] =	ssyncset.done $0x0  }
0xa4: {  	s25 =	simm.s32 $0x1B8E;
	s24 =	sld [smem:$0x3FFE];
	[sflag:s23] =	ssyncadd.s32 $0xFFFFFFFF  }
0xa5: {  	s26 =	simm.s32 $execute0_lowered;
	[smem:$0x3FD2] =	sst s25  }
0xa6: {  	s5 =	sshll.u32 s26, $0x1;
	_ =	strace $0x80000046;
	[dreg:$0x1] =	wrdreg $0xFFFFFFFF  }
0xa7: {  	s28 =	simm.s32 $_size_execute0_lowered;
	s3 =	sadd.s32 s3, s5;
	[dreg:$0x0] =	wrdreg $0x0  }
0xa8: {  	s5 =	sshll.u32 s28, $0x1;
	[dreg:$0x2] =	wrdreg s3  }
0xa9: {  	[dreg:$0x3] =	wrdreg s5  }
0xaa: {  	[dreg:$0x4] =	wrdreg $0xC0  }
0xab: {  	_ =	task [dreg:s7], $0x5FFFF  }
0xac: {  	[dreg:$0x1] =	wrdreg $0xFFFFFFFF  }
0xad: {  	[dreg:$0x0] =	wrdreg $0x60  }
0xae: {  	[dreg:$0x2] =	wrdreg s24  }
0xaf: {  	[dreg:$0x3] =	wrdreg s2  }
0xb0: {  	[dreg:$0x4] =	wrdreg $0x57800  }
0xb1: {  	[dreg:$0x5] =	wrdreg $0x9  }
0xb2: {  	_ =	task.clear_ibuf [dreg:s7], $0x6FFFF;
	_ =	strace $0x90000046  }
0xb3: {  	s29 =	simm.s32 $0x9;
	_ =	strace $0x80000048  }
0xb4: {  	_ =	swait.ge [sflag:s29], $0x1  }
0xb5: {  	[sflag:s29] =	ssyncadd.s32 $0xFFFFFFFF  }
0xb6: {  	_ =	strace $0x90000048  }
0xb7: {  	_ =	sfence  }
0xb8: {  	s30 =	sld [smem:$0x0];
	_ =	sdelay $0x2  }
0xb9: {  	s31 =	sshll.u32 s1, $0xD;
	s1 =	sshrl.u32 s1, $0x2  }
0xba: {  	s3 =	sand.u32 $0x4000, s31;
	s1 =	sadd.s32 s1, s30  }
0xbb: {  	s0 =	sor.u32 s3, s0;
	s1 =	sshll.u32 s1, $0x11  }
0xbc: {  	s0 =	sor.u32 s1, s0  }
0xbd: {  	s0 =	sadd.s32 $0x8F2B, s0  }
0xbe: {  	[sflag:s0] =	ssyncadd.remote.s32 $0x1  }
0xbf: {  	_ =	sfence.sel $0xFFFF  }
0xc0: {  	[dreg:$0x0] =	wrdreg $0xFFFFFFFF;
	(pc) =	sbr.abs _section_cstart, $3  }
0xc1: {  	[dreg:$0x1] =	wrdreg $0xFFFFFFFF  }
0xc2: {  	_ =	task.clear_ibuf [dreg:s7], $0x2FFFF;
	_ =	strace $0x9FFFFFFF  }
0xc3: {  	(tm) =	ssettm $0x7FFFFFFF  }
tec
execute0_lowered:
.L_overlay_start_1:
0x0: {  	(tag) =	ssettag $0x1  }
0x1: {  	s4 =	rddreg [dreg:$0x0]  }
0x2: {  	s0 =	srdreg.scid;
	s6 =	rddreg [dreg:$0x1]  }
0x3: {  	s2 =	rddreg [dreg:$0x2];
	s1 =	stileid.u32;
	s3 =	simm.s32 $0x0  }
0x4: {  	s11 =	simm.s32 $0x100;
	s12 =	simm.s32 $0x180;
	s13 =	simm.s32 $0x1  }
0x5: {  	s14 =	simm.s32 $0x2;
	s5 =	sand.u32 $0x1, s0;
	s0 =	rddreg [dreg:$0x3]  }
0x6: {  	s15 =	simm.s32 $0x3;
	s16 =	simm.s32 $0x4;
	[smem:$0x7FF] =	sst s3  }
0x7: {  	s9 =	smul.u32 $0x2780, s1;
	s7 =	sshll.u32 s5, $0x4;
	_ =	strace $0x80000047  }
0x8: {  	s8 =	ssub.s32 $0x2, s5;
	s10 =	smul.u32 $0x4F00, s5;
	s7 =	sor.u32 s1, s7  }
0x9: {  	s31 =	sshrl.u32 s8, $0x1;
	s5 =	sadd.s32 s9, s2;
	s18 =	sshrl.u32 s9, $0x3  }
0xa: {  	s9 =	simm.s32 $0x80;
	s7 =	smul.u32 $0x500, s7;
	s17 =	sadd.s32 s6, s10  }
0xb: {  	s10 =	simm.s32 $0x2800;
	s17 =	sadd.s32 s18, s17;
	s18 =	simm.s32 $0x0  }
0xc: {  	s4 =	sadd.s32 s7, s4;
	s7 =	ssub.s32 s8, s31;
	s8 =	simm.s32 $0x3000  }
0xd: {  	v0 =	vimm.f32 $1.000000000e+00;
	v1 =	vimm.f32 $0.0e+00;
	s4 =	sadd.s32 $0xCA00, s4;
	s6 =	smax.u32 s7, $0x1;
	s7 =	simm.s32 $0x5  }
.LBB2_1:
0xe: {  	[tilespmem:s3], [sflag:$0x5] =	stream.linear.gather [hbm4b:s4+s3], $0x2800, $0x38;
	[tilespmem:$0x7F00] =	vst v63  }
0xf: {  	_ =	swait.ge [sflag:s7], $0x2800  }
0x10: {  	[sflag:s7] =	ssyncset.done $0x0  }
0x11: {  	s19 =	simm.s32 $0x0;
	[sflag:s7] =	ssyncadd.s32 $0xFFFFD800  }
.LBB2_2:
0x12: {  	p0 =	sne.s32 s19, $0x1FC0  }
.Ltmp0:
0x13: {  	_ = 	snop;
	(pc) =	sbr.rel @p0 .LBB2_2-.Ltmp0, $3  }
0x14: {  	_ =	sdelay $0x1  }
0x15: {  	s20 =	sshra.s32 s19, $0x2  }
0x16: {  	s19 =	sadd.s32 $0x40, s19;
	[tilespmem:s20+$0x2800] =	vst v0  }
0x17: {  	s19 =	simm.s32 $0x40;
	s20 =	simm.s32 $0x0  }
.LBB2_4:
0x18: {  	p0 =	sne.s32 s19, $0x9DC0;
	[tilespmem:s20+$0x3000] =	vst v1;
	s20 =	smov.u32 s19;
	s19 =	sadd.s32 $0x40, s19  }
.Ltmp1:
0x19: {  	(pc) =	sbr.rel @p0 .LBB2_4-.Ltmp1, $2  }
0x1a: {  	_ =	sdelay $0x2  }
0x1b: {  	s20 =	sshra.s32 s20, $0x2  }
0x1c: {  	[tilespmem:s20+$0x3000] =	vst v1  }
0x1d: {  	[spmem:s5] =	stream.linear.scatter [tilespmem:s8], [sflag:$0x5], $0x2780, $0x38;
	[tilespmem:$0x7F00] =	vst v63  }
0x1e: {  	_ =	swait.ge [sflag:s7], $0x2780  }
0x1f: {  	[sflag:s7] =	ssyncset.done $0x0  }
0x20: {  	[sflag:s7] =	ssyncadd.s32 $0xFFFFD880  }
0x21: {  	[bflag:$0x0] =	sbarrier.arrive $0xFFFF  }
0x22: {  	[spmem:s2] =	stream.indirect.scatter.add.f32 [tilespmem:s10], [sflag:$0x1], $0x10, s3, s9, $0xb8;
	[tilespmem:$0x7F00] =	vst v63  }
0x23: {  	_ = 	snop  }
0x24: {  	[spmem:s2] =	stream.indirect.scatter.add.f32 [tilespmem:s10], [sflag:$0x2], $0x10, s9, s9, $0xb8;
	[tilespmem:$0x7F00] =	vst v63  }
0x25: {  	_ = 	snop  }
0x26: {  	[spmem:s2] =	stream.indirect.scatter.add.f32 [tilespmem:s10], [sflag:$0x3], $0x10, s11, s9, $0xb8;
	[tilespmem:$0x7F00] =	vst v63  }
0x27: {  	_ = 	snop  }
0x28: {  	[spmem:s2] =	stream.indirect.scatter.add.f32 [tilespmem:s10], [sflag:$0x4], $0x10, s12, s9, $0xb8;
	[tilespmem:$0x7F00] =	vst v63  }
0x29: {  	_ =	swait.ge [sflag:s13], $0x800  }
0x2a: {  	[sflag:s13] =	ssyncset.done $0x0  }
0x2b: {  	s19 =	simm.s32 $0x200;
	[sflag:s13] =	ssyncadd.s32 $0xFFFFF800  }
0x2c: {  	[spmem:s2] =	stream.indirect.scatter.add.f32 [tilespmem:s10], [sflag:$0x1], $0x10, s19, s9, $0xb8;
	[tilespmem:$0x7F00] =	vst v63  }
0x2d: {  	_ =	swait.ge [sflag:s14], $0x800  }
0x2e: {  	[sflag:s14] =	ssyncset.done $0x0  }
0x2f: {  	s30 =	simm.s32 $0x280;
	[sflag:s14] =	ssyncadd.s32 $0xFFFFF800  }
0x30: {  	[spmem:s2] =	stream.indirect.scatter.add.f32 [tilespmem:s10], [sflag:$0x2], $0x10, s30, s9, $0xb8;
	[tilespmem:$0x7F00] =	vst v63  }
0x31: {  	_ =	swait.ge [sflag:s15], $0x800  }
0x32: {  	[sflag:s15] =	ssyncset.done $0x0  }
0x33: {  	s31 =	simm.s32 $0x300;
	[sflag:s15] =	ssyncadd.s32 $0xFFFFF800  }
0x34: {  	[spmem:s2] =	stream.indirect.scatter.add.f32 [tilespmem:s10], [sflag:$0x3], $0x10, s31, s9, $0xb8;
	[tilespmem:$0x7F00] =	vst v63  }
0x35: {  	_ =	swait.ge [sflag:s16], $0x800  }
0x36: {  	[sflag:s16] =	ssyncset.done $0x0  }
0x37: {  	s20 =	simm.s32 $0x380;
	s19 =	simm.s32 $0xFFFF7000;
	[sflag:s16] =	ssyncadd.s32 $0xFFFFF800  }
.LBB2_6:
0x38: {  	[spmem:s2] =	stream.indirect.scatter.add.f32 [tilespmem:s10], [sflag:$0x4], $0x10, s20, s9, $0xb8;
	[tilespmem:$0x7F00] =	vst v63  }
0x39: {  	s20 =	smov.u32 s19  }
0x3a: {  	p0 =	sne.s32 s19, $0xFFFFF800;
	s19 =	sadd.s32 $0x800, s19;
	_ =	swait.ge [sflag:s13], $0x800  }
0x3b: {  	s20 =	sshra.s32 s20, $0x2;
	[sflag:s13] =	ssyncset.done $0x0  }
0x3c: {  	s21 =	sadd.s32 $0x2800, s20;
	[sflag:s13] =	ssyncadd.s32 $0xFFFFF800  }
0x3d: {  	[spmem:s2] =	stream.indirect.scatter.add.f32 [tilespmem:s10], [sflag:$0x1], $0x10, s21, s9, $0xb8;
	[tilespmem:$0x7F00] =	vst v63  }
0x3e: {  	_ =	swait.ge [sflag:s14], $0x800  }
0x3f: {  	[sflag:s14] =	ssyncset.done $0x0  }
0x40: {  	s21 =	sadd.s32 $0x2880, s20;
	[sflag:s14] =	ssyncadd.s32 $0xFFFFF800  }
0x41: {  	[spmem:s2] =	stream.indirect.scatter.add.f32 [tilespmem:s10], [sflag:$0x2], $0x10, s21, s9, $0xb8;
	[tilespmem:$0x7F00] =	vst v63  }
0x42: {  	_ =	swait.ge [sflag:s15], $0x800  }
0x43: {  	[sflag:s15] =	ssyncset.done $0x0  }
.Ltmp2:
0x44: {  	s21 =	sadd.s32 $0x2900, s20;
	[sflag:s15] =	ssyncadd.s32 $0xFFFFF800;
	(pc) =	sbr.rel @p0 .LBB2_6-.Ltmp2, $4  }
0x45: {  	[spmem:s2] =	stream.indirect.scatter.add.f32 [tilespmem:s10], [sflag:$0x3], $0x10, s21, s9, $0xb8;
	[tilespmem:$0x7F00] =	vst v63  }
0x46: {  	_ =	swait.ge [sflag:s16], $0x800  }
0x47: {  	[sflag:s16] =	ssyncset.done $0x0  }
0x48: {  	s20 =	sadd.s32 $0x2980, s20;
	[sflag:s16] =	ssyncadd.s32 $0xFFFFF800  }
0x49: {  	[spmem:s2] =	stream.indirect.scatter.add.f32 [tilespmem:s10], [sflag:$0x4], $0x10, s20, s9, $0xb8;
	[tilespmem:$0x7F00] =	vst v63  }
0x4a: {  	_ =	swait.ge [sflag:s13], $0x800  }
0x4b: {  	[sflag:s13] =	ssyncset.done $0x0  }
0x4c: {  	[sflag:s13] =	ssyncadd.s32 $0xFFFFF800  }
0x4d: {  	_ =	swait.ge [sflag:s14], $0x800  }
0x4e: {  	[sflag:s14] =	ssyncset.done $0x0  }
0x4f: {  	[sflag:s14] =	ssyncadd.s32 $0xFFFFF800  }
0x50: {  	_ =	swait.ge [sflag:s15], $0x800  }
0x51: {  	[sflag:s15] =	ssyncset.done $0x0  }
0x52: {  	[sflag:s15] =	ssyncadd.s32 $0xFFFFF800  }
0x53: {  	_ =	swait.ge [sflag:s16], $0x800  }
0x54: {  	[sflag:s16] =	ssyncset.done $0x0  }
0x55: {  	[sflag:s16] =	ssyncadd.s32 $0xFFFFF800  }
0x56: {  	[bflag:$0x0] =	sbarrier.arrive $0xFFFF  }
0x57: {  	[tilespmem:s8], [sflag:$0x5] =	stream.linear.gather [spmem:s5], $0x2780, $0x38;
	[tilespmem:$0x7F00] =	vst v63  }
0x58: {  	s18 =	sadd.s32 $0x1, s18;
	_ =	swait.ge [sflag:s7], $0x2780  }
0x59: {  	p0 =	sne.s32 s18, s6;
	[sflag:s7] =	ssyncset.done $0x0  }
.Ltmp3:
0x5a: {  	[sflag:s7] =	ssyncadd.s32 $0xFFFFD880;
	(pc) =	sbr.rel @p0 .LBB2_1-.Ltmp3, $4  }
0x5b: {  	[hbm4b:s17+s3] =	stream.linear.scatter [tilespmem:s8], [sflag:$0x5], $0x2780, $0x38;
	[tilespmem:$0x7F00] =	vst v63  }
0x5c: {  	_ =	swait.ge [sflag:s7], $0x2780  }
0x5d: {  	[sflag:s7] =	ssyncset.done $0x0  }
0x5e: {  	[sflag:s7] =	ssyncadd.s32 $0xFFFFD880  }
0x5f: {  	_ =	sfence.sel $0x180000  }
0x60: {  	[bflag:$0x0] =	sbarrier.arrive $0xFFFF  }
0x61: {  	p0 =	sne.s32 s1, $0x0;
	_ =	strace $0x90000047  }
0x62: {  	s0 =	sadd.s32 @!p0 $0x100000, s0;
	[bflag:$0x2] =	sbarrier.arrive $0xFFFF  }
0x63: {  	[sflag:s0] =	ssyncadd.tile.s32 @!p0 $0x1;
	_ =	shalt  }
.Lfunc_end2:
_tile_overlayer_lowered:
.L_overlay_start_2:
0x64: {  	(tag) =	ssettag $0x2  }
0x65: {  	s0 =	rddreg [dreg:$0x0];
	s2 =	stileid.u32  }
0x66: {  	s1 =	rddreg [dreg:$0x1];
	p0 =	sne.s32 s2, $0x0  }
0x67: {  	s3 =	rddreg [dreg:$0x2];
	[bflag:$0x3] =	sbarrier.arrive $0xFFFF;
	s2 =	simm.s32 @!p0 $0x1C05  }
0x68: {  	[timem:s3], [sflag:s2] =	dma.local @!p0 [hbm:s0], s1  }
0x69: {  	s0 =	simm.s32 @!p0 $0x5  }
0x6a: {  	_ =	swait.ge @!p0 [sflag:s0], s1  }
0x6b: {  	s1 =	ssub.s32 @!p0 $0x0, s1;
	[sflag:s0] =	ssyncset.done @!p0 $0x0  }
0x6c: {  	[sflag:s0] =	ssyncadd.s32 @!p0 s1  }
0x6d: {  	[bflag:$0x3] =	sbarrier.arrive $0xFFFF  }
0x6e: {  	_ =	shalt  }

</sc_bundles>
